<compile_context>
chip_gen: v7x
topology: tpu7x:2x2x1
jax: 0.10.2.dev20260603
libtpu: 0.0.44.dev20260713+nightly
codegen_flags: <defaults>
</compile_context>

<pallas_src>
import functools

import numpy as np
import jax
import jax.numpy as jnp
from jax import lax
from jax.experimental import pallas as pl
from jax.experimental.pallas import tpu as pltpu
from jax.experimental.pallas import tpu_sc as plsc

_SAMPLING_P = 0.1
_LANES = 16



def _rotl32(x, r):
    return ((x << np.uint32(r)) | (x >> np.uint32(32 - r))).astype(np.uint32)


def _tf2x32(k1, k2, x0, x1):
    x0 = x0.astype(np.uint32).copy()
    x1 = x1.astype(np.uint32).copy()
    ks = (np.uint32(k1), np.uint32(k2),
          np.uint32(k1) ^ np.uint32(k2) ^ np.uint32(0x1BD11BDA))
    rot_a = (13, 15, 26, 6)
    rot_b = (17, 29, 16, 24)
    x0 = (x0 + ks[0]).astype(np.uint32)
    x1 = (x1 + ks[1]).astype(np.uint32)
    sched = [(rot_a, ks[1], ks[2] + np.uint32(1)),
             (rot_b, ks[2], ks[0] + np.uint32(2)),
             (rot_a, ks[0], ks[1] + np.uint32(3)),
             (rot_b, ks[1], ks[2] + np.uint32(4)),
             (rot_a, ks[2], ks[0] + np.uint32(5))]
    for rots, a0, a1 in sched:
        for r in rots:
            x0 = (x0 + x1).astype(np.uint32)
            x1 = _rotl32(x1, r)
            x1 = x1 ^ x0
        x0 = (x0 + a0).astype(np.uint32)
        x1 = (x1 + a1).astype(np.uint32)
    return x0, x1


def _np_tf_2x32(key, count):
    flat = count.astype(np.uint32).ravel()
    odd = flat.size % 2
    if odd:
        flat = np.concatenate([flat, np.zeros(1, np.uint32)])
    h = flat.size // 2
    r0, r1 = _tf2x32(key[0], key[1], flat[:h], flat[h:])
    out = np.concatenate([r0, r1])
    if odd:
        out = out[:-1]
    return out.reshape(count.shape)


def _np_partitionable():
    return bool(jax.config.jax_threefry_partitionable)


def _np_split(key, n=2):
    if _np_partitionable():
        b1, b2 = _tf2x32(key[0], key[1], np.zeros(n, np.uint32),
                         np.arange(n, dtype=np.uint32))
        return np.stack([b1, b2], axis=1)
    return _np_tf_2x32(key, np.arange(2 * n, dtype=np.uint32)).reshape(n, 2)


def _np_bits32(key, n):
    if _np_partitionable():
        b1, b2 = _tf2x32(key[0], key[1], np.zeros(n, np.uint32),
                         np.arange(n, dtype=np.uint32))
        return b1 ^ b2
    return _np_tf_2x32(key, np.arange(n, dtype=np.uint32))


def _np_uniform(key, n):
    bits = _np_bits32(key, n)
    f = ((bits >> np.uint32(9)) | np.uint32(0x3F800000)).view(np.float32)
    return np.maximum(np.float32(0.0), f - np.float32(1.0))


def _np_permutation(key, T):
    x = np.arange(T, dtype=np.int32)
    num_rounds = int(np.ceil(3 * np.log(max(1, T)) /
                             np.log(np.iinfo(np.uint32).max)))
    k = key
    for _ in range(num_rounds):
        ks = _np_split(k, 2)
        k, sub = ks[0], ks[1]
        sort_keys = _np_bits32(sub, T)
        x = x[np.argsort(sort_keys, kind="stable")]
    return x


@functools.lru_cache(maxsize=None)
def _plan(B, T):
    k = int(0.8 * T)
    base = np.array([0, 42], dtype=np.uint32)
    keys = _np_split(base, 2)
    coin_key, perm_key = keys[0], keys[1]
    coins = _np_uniform(coin_key, B)
    perm_keys = _np_split(perm_key, B)
    idx = np.stack([np.sort(_np_permutation(perm_keys[i], T)[:k])
                    for i in range(B)])
    hit = coins < _SAMPLING_P
    src = np.tile(np.arange(T, dtype=np.int64), (B, 1))
    src[hit, :k] = idx[hit]
    src[hit, k:] = 0
    nh = int(hit.sum())
    nrow = max(8, ((nh + 1 + 7) // 8) * 8)
    g = np.tile(np.arange(T, dtype=np.int32), (nrow + 8, 1))
    g[:nh] = src[hit].astype(np.int32)
    msk = np.ones((8, T), np.float32)
    msk[1:, k:] = 0.0
    g[nrow:] = msk.view(np.int32)
    grow = np.full(B, nh, np.int32)
    grow[hit] = np.arange(nh, dtype=np.int32)
    mrow = nrow + hit.astype(np.int32)
    return g, hit, grow, mrow


_ATOM = 8


@functools.lru_cache(maxsize=None)
def _units(B, T, C, NW):
    _, hit, grow, mrow = _plan(B, T)
    apb = C // _ATOM
    n_atoms = B * apb
    U = n_atoms // NW
    isg = np.repeat(hit, apb)
    g_atoms = list(np.nonzero(isg)[0])
    c_atoms = list(np.nonzero(~isg)[0])
    lists = [[] for _ in range(NW)]
    for i, a in enumerate(g_atoms):
        lists[i % NW].append(a)
    ga = max(len(l) for l in lists)
    for w in range(NW):
        while len(lists[w]) < ga:
            lists[w].append(c_atoms.pop(0))
    for w in range(NW):
        need = U - len(lists[w])
        lists[w].extend(c_atoms[:need])
        del c_atoms[:need]
    assert not c_atoms and all(len(l) == U for l in lists)
    tbl = np.zeros((NW, U, _LANES), np.int32)
    for w in range(NW):
        for u, a in enumerate(lists[w]):
            r0 = a * _ATOM
            b = r0 // C
            tbl[w, u, 0] = r0
            tbl[w, u, 1] = grow[b]
            tbl[w, u, 2] = mrow[b]
    return tbl, U, ga


@functools.lru_cache(maxsize=None)
def _build(B, T, C, NC, NS, U, ga):
    NW = NC * NS
    GRP = T // _LANES
    NCP = U - ga
    NB = 5
    mesh = plsc.VectorSubcoreMesh(core_axis_name="c", subcore_axis_name="s")

    @functools.partial(
        pl.kernel,
        out_type=jax.ShapeDtypeStruct((B * C, T), jnp.float32),
        mesh=mesh,
        compiler_params=pltpu.CompilerParams(needs_layout_passes=False),
        scratch_types=[
            pltpu.VMEM((T,), jnp.int32),
            pltpu.VMEM((T,), jnp.int32),
            pltpu.VMEM((_ATOM, T), jnp.float32),
            pltpu.VMEM((_ATOM, T), jnp.float32),
            pltpu.VMEM_SHARED((NS, NB, _ATOM, T), jnp.float32),
            pltpu.VMEM((U, _LANES), jnp.int32),
            pltpu.SemaphoreType.DMA,
            [pltpu.SemaphoreType.DMA for _ in range(NB)],
            [pltpu.SemaphoreType.DMA for _ in range(NB)],
        ],
    )
    def sc_kernel(x_hbm, g_hbm, tbl_hbm, out_hbm,
                  idx_v, m_v, xv, ov, cb_sh, tbl_v, sem, sem_i, sem_o):
        sid = lax.axis_index("s")
        wid = sid * NC + lax.axis_index("c")
        pltpu.sync_copy(tbl_hbm.at[wid], tbl_v)
        cbufs = [cb_sh.at[sid, nb] for nb in range(NB)]

        def atom_r0(u):
            return pl.multiple_of(tbl_v[u, :][0], _ATOM)

        def fire_in(u):
            return pltpu.async_copy(
                x_hbm.at[pl.ds(atom_r0(ga + u), _ATOM), :],
                cbufs[u % NB], sem_i[u % NB])

        gins = []
        for u in range(ga):
            du = tbl_v[u, :]
            r0 = pl.multiple_of(du[0], _ATOM)
            gins.append((
                pltpu.async_copy(g_hbm.at[du[1]], idx_v, sem),
                pltpu.async_copy(g_hbm.at[du[2]], m_v, sem),
                pltpu.async_copy(x_hbm.at[pl.ds(r0, _ATOM), :], xv, sem),
            ))

        ins = {}
        for p in range(min(NB, NCP)):
            ins[p] = fire_in(p)

        outs = {}
        for u in range(NCP):
            ins[u].wait()
            outs[u] = pltpu.async_copy(
                cbufs[u % NB],
                out_hbm.at[pl.ds(atom_r0(ga + u), _ATOM), :], sem_o[u % NB])
            if u >= NB - 1:
                outs[u - (NB - 1)].wait()
                if u + 1 < NCP and u + 1 >= NB:
                    ins[u + 1] = fire_in(u + 1)

        for u in range(ga):
            du = tbl_v[u, :]
            r0 = pl.multiple_of(du[0], _ATOM)
            for cp in gins[u]:
                cp.wait()
            for c in range(_ATOM):

                def body(j, carry, c=c):
                    pos = j * _LANES
                    idx16 = idx_v[pl.ds(pos, _LANES)]
                    cvec = jnp.full((_LANES,), c, jnp.int32)
                    vals = plsc.load_gather(xv, [cvec, idx16])
                    mbits = m_v[pl.ds(pos, _LANES)]
                    vals = vals * plsc.bitcast(mbits, jnp.float32)
                    ov[c, pl.ds(pos, _LANES)] = vals
                    return carry

                lax.fori_loop(0, GRP, body, 0)
            pltpu.sync_copy(ov, out_hbm.at[pl.ds(r0, _ATOM), :])

        for u in range(max(0, NCP - (NB - 1)), NCP):
            outs[u].wait()

    return sc_kernel


def kernel(eeg_data):
    B, T, C = eeg_data.shape
    g, _, _, _ = _plan(B, T)
    info = plsc.get_sparse_core_info()
    NW = info.num_cores * info.num_subcores
    tbl, U, ga = _units(B, T, C, NW)
    sck = _build(B, T, C, info.num_cores, info.num_subcores, U, ga)
    x2 = jnp.transpose(eeg_data, (0, 2, 1)).reshape(B * C, T)
    out2 = sck(x2, jnp.asarray(g), jnp.asarray(tbl))
    return jnp.transpose(out2.reshape(B, C, T), (0, 2, 1))

# --- scband reference (transcript-rebuilt; emitter-appended) ---
"""Pipeline reference for scband-random-sampling-33741263077415 (READ-ONLY COPY).

The authoritative reference and input builder live on the scoring server;
editing this copy changes nothing except your own understanding.
"""

import jax, jax.numpy as jnp
import numpy as np

SAMPLING_PROB = 0.1


def setup_inputs(seed: int = 0) -> dict:
    key = jax.random.key(seed)
    eeg_data = jax.random.normal(key, (64, 2048, 64), dtype=jnp.float32)
    return {"eeg_data": eeg_data}


def reference(eeg_data):
    # Faithful translation of RandomSampling.forward:
    # per-sample Bernoulli(p) coin; if hit, keep a sorted random subset of
    # 80% of timepoints and zero-pad back to full length; else pass through.
    B, T, C = eeg_data.shape
    k = int(0.8 * T)
    base = jax.random.key(42)
    coin_key, perm_key = jax.random.split(base)
    coins = jax.random.uniform(coin_key, (B,))
    perm_keys = jax.random.split(perm_key, B)

    def sample_one(pk, x):
        # random.sample(range(T), k) sorted -> sorted prefix of a permutation
        idx = jnp.sort(jax.random.permutation(pk, T)[:k])
        sampled = jnp.take(x, idx, axis=0)           # gather [k, C]
        padded = jnp.pad(sampled, ((0, T - k), (0, 0)))  # F.pad (0,0,0,pad)
        return padded

    augmented = jax.vmap(sample_one)(perm_keys, eeg_data)  # [B, T, C]
    take_aug = (coins < SAMPLING_PROB)[:, None, None]
    return jnp.where(take_aug, augmented, eeg_data)

if __name__ == "__main__":
    import jax
    _d = setup_inputs()
    print(jax.jit(kernel)(*tuple(_d.values())))

</pallas_src>

<mosaic_0001>
#map = affine_map<(d0, d1) -> (0, 0)>
#map1 = affine_map<(d0, d1) -> (0, 0, 0)>
module attributes {stable_mosaic.version = 14 : i64} {
  func.func @sc_kernel(%arg0: i32, %arg1: i32, %arg2: memref<4096x2048xf32, #tpu.memory_space<hbm>>, %arg3: memref<16x2048xi32, #tpu.memory_space<hbm>>, %arg4: memref<32x16x16xi32, #tpu.memory_space<hbm>>, %arg5: memref<4096x2048xf32, #tpu.memory_space<hbm>>, %arg6: memref<2048xi32, #tpu.memory_space<vmem>>, %arg7: memref<2048xi32, #tpu.memory_space<vmem>>, %arg8: memref<8x2048xf32, #tpu.memory_space<vmem>>, %arg9: memref<8x2048xf32, #tpu.memory_space<vmem>>, %arg10: memref<16x5x8x2048xf32, #tpu.memory_space<vmem_shared>>, %arg11: memref<16x16xi32, #tpu.memory_space<vmem>>, %arg12: memref<!tpu.dma_semaphore, #tpu.memory_space<semaphore_mem>>, %arg13: memref<!tpu.dma_semaphore, #tpu.memory_space<semaphore_mem>>, %arg14: memref<!tpu.dma_semaphore, #tpu.memory_space<semaphore_mem>>, %arg15: memref<!tpu.dma_semaphore, #tpu.memory_space<semaphore_mem>>, %arg16: memref<!tpu.dma_semaphore, #tpu.memory_space<semaphore_mem>>, %arg17: memref<!tpu.dma_semaphore, #tpu.memory_space<semaphore_mem>>, %arg18: memref<!tpu.dma_semaphore, #tpu.memory_space<semaphore_mem>>, %arg19: memref<!tpu.dma_semaphore, #tpu.memory_space<semaphore_mem>>, %arg20: memref<!tpu.dma_semaphore, #tpu.memory_space<semaphore_mem>>, %arg21: memref<!tpu.dma_semaphore, #tpu.memory_space<semaphore_mem>>, %arg22: memref<!tpu.dma_semaphore, #tpu.memory_space<semaphore_mem>>) attributes {dimension_semantics = [#tpu.dimension_semantics<core_parallel>, #tpu.dimension_semantics<subcore_parallel>], iteration_bounds = array<i64: 2, 16>, scalar_prefetch = 0 : i64, scratch_operands = 17 : i64, tpu.core_type = #tpu.core_type<sc_vector_subcore>, window_params = [{transform_indices = #map}, {transform_indices = #map}, {transform_indices = #map1}, {transform_indices = #map}]} {
    %mul3A = arith.constant 2 : i32
    %mul3A_0 = arith.muli %arg1, %mul3A : i32
    %add3A = arith.addi %mul3A_0, %arg0 : i32
    "tpu.region"() ({
      %run_scoped3A = tpu.sem_alloc : memref<!tpu.dma_semaphore, #tpu.memory_space<semaphore_mem>>
      %dma_start3A_722 = arith.constant 0 : i32
      %dma_start3A_723 = arith.constant 0 : i32
      %dma_start3A_724 = tpu.memref_slice %arg4[%add3A, %dma_start3A_722, %dma_start3A_723] : memref<32x16x16xi32, #tpu.memory_space<hbm>> -> memref<1x16x16xi32, #tpu.memory_space<hbm>>
      %dma_start3A_725 = tpu.memref_squeeze %dma_start3A_724 : memref<1x16x16xi32, #tpu.memory_space<hbm>> -> memref<16x16xi32, #tpu.memory_space<hbm>>
      %dma_start3A_726 = arith.constant 0 : i32
      %dma_start3A_727 = arith.constant 0 : i32
      %dma_start3A_728 = tpu.memref_slice %arg4[%add3A, %dma_start3A_726, %dma_start3A_727] : memref<32x16x16xi32, #tpu.memory_space<hbm>> -> memref<1x16x16xi32, #tpu.memory_space<hbm>>
      %dma_start3A_729 = tpu.memref_squeeze %dma_start3A_728 : memref<1x16x16xi32, #tpu.memory_space<hbm>> -> memref<16x16xi32, #tpu.memory_space<hbm>>
      tpu.enqueue_dma source(%dma_start3A_729 : memref<16x16xi32, #tpu.memory_space<hbm>>) target(%arg11 : memref<16x16xi32, #tpu.memory_space<vmem>>) target_semaphore(%run_scoped3A : memref<!tpu.dma_semaphore, #tpu.memory_space<semaphore_mem>>)
      %dma_wait3A_730 = arith.constant 0 : i32
      %dma_wait3A_731 = arith.constant 0 : i32
      %dma_wait3A_732 = tpu.memref_slice %arg4[%add3A, %dma_wait3A_730, %dma_wait3A_731] : memref<32x16x16xi32, #tpu.memory_space<hbm>> -> memref<1x16x16xi32, #tpu.memory_space<hbm>>
      %dma_wait3A_733 = tpu.memref_squeeze %dma_wait3A_732 : memref<1x16x16xi32, #tpu.memory_space<hbm>> -> memref<16x16xi32, #tpu.memory_space<hbm>>
      %dma_wait3A_734 = arith.constant 0 : i32
      %dma_wait3A_735 = arith.constant 0 : i32
      %dma_wait3A_736 = tpu.memref_slice %arg4[%add3A, %dma_wait3A_734, %dma_wait3A_735] : memref<32x16x16xi32, #tpu.memory_space<hbm>> -> memref<1x16x16xi32, #tpu.memory_space<hbm>>
      %dma_wait3A_737 = tpu.memref_squeeze %dma_wait3A_736 : memref<1x16x16xi32, #tpu.memory_space<hbm>> -> memref<16x16xi32, #tpu.memory_space<hbm>>
      tpu.wait_dma2 semaphore(%run_scoped3A : memref<!tpu.dma_semaphore, #tpu.memory_space<semaphore_mem>>) src(%dma_wait3A_737 : memref<16x16xi32, #tpu.memory_space<hbm>>) dst(%arg11 : memref<16x16xi32, #tpu.memory_space<vmem>>)
      tpu.yield
    }) : () -> ()
    %get3A = arith.constant 0 : i32
    %get3A_1 = arith.index_cast %get3A : i32 to index
    %get3A_2 = arith.constant 0 : index
    %get3A_3 = tpu.vector_load %arg11[%get3A_1, %get3A_2] {strides = array<i32>} : memref<16x16xi32, #tpu.memory_space<vmem>>, vector<16xi32>,
    %slice3A = vector.extract_strided_slice %get3A_3 {offsets = [0], sizes = [1], strides = [1]} : vector<16xi32> to vector<1xi32>
    %squeeze3A = vector.extract %slice3A[0] : i32 from vector<1xi32>
    %multiple_of3A = tpu.assume_multiple %squeeze3A, 8 : i32
    %slice3A_4 = vector.extract_strided_slice %get3A_3 {offsets = [1], sizes = [1], strides = [1]} : vector<16xi32> to vector<1xi32>
    %squeeze3A_5 = vector.extract %slice3A_4[0] : i32 from vector<1xi32>
    %dma_start3A = arith.constant 0 : i32
    %dma_start3A_6 = tpu.memref_slice %arg3[%squeeze3A_5, %dma_start3A] : memref<16x2048xi32, #tpu.memory_space<hbm>> -> memref<1x2048xi32, #tpu.memory_space<hbm>>
    %dma_start3A_7 = tpu.memref_squeeze %dma_start3A_6 : memref<1x2048xi32, #tpu.memory_space<hbm>> -> memref<2048xi32, #tpu.memory_space<hbm>>
    %dma_start3A_8 = arith.constant 0 : i32
    %dma_start3A_9 = tpu.memref_slice %arg3[%squeeze3A_5, %dma_start3A_8] : memref<16x2048xi32, #tpu.memory_space<hbm>> -> memref<1x2048xi32, #tpu.memory_space<hbm>>
    %dma_start3A_10 = tpu.memref_squeeze %dma_start3A_9 : memref<1x2048xi32, #tpu.memory_space<hbm>> -> memref<2048xi32, #tpu.memory_space<hbm>>
    tpu.enqueue_dma source(%dma_start3A_10 : memref<2048xi32, #tpu.memory_space<hbm>>) target(%arg6 : memref<2048xi32, #tpu.memory_space<vmem>>) target_semaphore(%arg12 : memref<!tpu.dma_semaphore, #tpu.memory_space<semaphore_mem>>)
    %slice3A_11 = vector.extract_strided_slice %get3A_3 {offsets = [2], sizes = [1], strides = [1]} : vector<16xi32> to vector<1xi32>
    %squeeze3A_12 = vector.extract %slice3A_11[0] : i32 from vector<1xi32>
    %dma_start3A_13 = arith.constant 0 : i32
    %dma_start3A_14 = tpu.memref_slice %arg3[%squeeze3A_12, %dma_start3A_13] : memref<16x2048xi32, #tpu.memory_space<hbm>> -> memref<1x2048xi32, #tpu.memory_space<hbm>>
    %dma_start3A_15 = tpu.memref_squeeze %dma_start3A_14 : memref<1x2048xi32, #tpu.memory_space<hbm>> -> memref<2048xi32, #tpu.memory_space<hbm>>
    %dma_start3A_16 = arith.constant 0 : i32
    %dma_start3A_17 = tpu.memref_slice %arg3[%squeeze3A_12, %dma_start3A_16] : memref<16x2048xi32, #tpu.memory_space<hbm>> -> memref<1x2048xi32, #tpu.memory_space<hbm>>
    %dma_start3A_18 = tpu.memref_squeeze %dma_start3A_17 : memref<1x2048xi32, #tpu.memory_space<hbm>> -> memref<2048xi32, #tpu.memory_space<hbm>>
    tpu.enqueue_dma source(%dma_start3A_18 : memref<2048xi32, #tpu.memory_space<hbm>>) target(%arg7 : memref<2048xi32, #tpu.memory_space<vmem>>) target_semaphore(%arg12 : memref<!tpu.dma_semaphore, #tpu.memory_space<semaphore_mem>>)
    %dma_start3A_19 = arith.constant 0 : i32
    %dma_start3A_20 = tpu.memref_slice %arg2[%multiple_of3A, %dma_start3A_19] : memref<4096x2048xf32, #tpu.memory_space<hbm>> -> memref<8x2048xf32, #tpu.memory_space<hbm>>
    %dma_start3A_21 = arith.constant 0 : i32
    %dma_start3A_22 = tpu.memref_slice %arg2[%multiple_of3A, %dma_start3A_21] : memref<4096x2048xf32, #tpu.memory_space<hbm>> -> memref<8x2048xf32, #tpu.memory_space<hbm>>
    tpu.enqueue_dma source(%dma_start3A_22 : memref<8x2048xf32, #tpu.memory_space<hbm>>) target(%arg8 : memref<8x2048xf32, #tpu.memory_space<vmem>>) target_semaphore(%arg12 : memref<!tpu.dma_semaphore, #tpu.memory_space<semaphore_mem>>)
    %get3A_23 = arith.constant 1 : i32
    %get3A_24 = arith.index_cast %get3A_23 : i32 to index
    %get3A_25 = arith.constant 0 : index
    %get3A_26 = tpu.vector_load %arg11[%get3A_24, %get3A_25] {strides = array<i32>} : memref<16x16xi32, #tpu.memory_space<vmem>>, vector<16xi32>,
    %slice3A_27 = vector.extract_strided_slice %get3A_26 {offsets = [0], sizes = [1], strides = [1]} : vector<16xi32> to vector<1xi32>
    %squeeze3A_28 = vector.extract %slice3A_27[0] : i32 from vector<1xi32>
    %multiple_of3A_29 = tpu.assume_multiple %squeeze3A_28, 8 : i32
    %dma_start3A_30 = arith.constant 0 : i32
    %dma_start3A_31 = arith.constant 0 : i32
    %dma_start3A_32 = arith.constant 0 : i32
    %dma_start3A_33 = tpu.memref_slice %arg10[%arg1, %dma_start3A_30, %dma_start3A_31, %dma_start3A_32] : memref<16x5x8x2048xf32, #tpu.memory_space<vmem_shared>> -> memref<1x1x8x2048xf32, #tpu.memory_space<vmem_shared>>
    %dma_start3A_34 = tpu.memref_squeeze %dma_start3A_33 : memref<1x1x8x2048xf32, #tpu.memory_space<vmem_shared>> -> memref<8x2048xf32, #tpu.memory_space<vmem_shared>>
    %dma_start3A_35 = arith.constant 0 : i32
    %dma_start3A_36 = tpu.memref_slice %arg2[%multiple_of3A_29, %dma_start3A_35] : memref<4096x2048xf32, #tpu.memory_space<hbm>> -> memref<8x2048xf32, #tpu.memory_space<hbm>>
    tpu.enqueue_dma source(%dma_start3A_36 : memref<8x2048xf32, #tpu.memory_space<hbm>>) target(%dma_start3A_34 : memref<8x2048xf32, #tpu.memory_space<vmem_shared>>) target_semaphore(%arg13 : memref<!tpu.dma_semaphore, #tpu.memory_space<semaphore_mem>>)
    %get3A_37 = arith.constant 2 : i32
    %get3A_38 = arith.index_cast %get3A_37 : i32 to index
    %get3A_39 = arith.constant 0 : index
    %get3A_40 = tpu.vector_load %arg11[%get3A_38, %get3A_39] {strides = array<i32>} : memref<16x16xi32, #tpu.memory_space<vmem>>, vector<16xi32>,
    %slice3A_41 = vector.extract_strided_slice %get3A_40 {offsets = [0], sizes = [1], strides = [1]} : vector<16xi32> to vector<1xi32>
    %squeeze3A_42 = vector.extract %slice3A_41[0] : i32 from vector<1xi32>
    %multiple_of3A_43 = tpu.assume_multiple %squeeze3A_42, 8 : i32
    %dma_start3A_44 = arith.constant 1 : i32
    %dma_start3A_45 = arith.constant 0 : i32
    %dma_start3A_46 = arith.constant 0 : i32
    %dma_start3A_47 = tpu.memref_slice %arg10[%arg1, %dma_start3A_44, %dma_start3A_45, %dma_start3A_46] : memref<16x5x8x2048xf32, #tpu.memory_space<vmem_shared>> -> memref<1x1x8x2048xf32, #tpu.memory_space<vmem_shared>>
    %dma_start3A_48 = tpu.memref_squeeze %dma_start3A_47 : memref<1x1x8x2048xf32, #tpu.memory_space<vmem_shared>> -> memref<8x2048xf32, #tpu.memory_space<vmem_shared>>
    %dma_start3A_49 = arith.constant 0 : i32
    %dma_start3A_50 = tpu.memref_slice %arg2[%multiple_of3A_43, %dma_start3A_49] : memref<4096x2048xf32, #tpu.memory_space<hbm>> -> memref<8x2048xf32, #tpu.memory_space<hbm>>
    tpu.enqueue_dma source(%dma_start3A_50 : memref<8x2048xf32, #tpu.memory_space<hbm>>) target(%dma_start3A_48 : memref<8x2048xf32, #tpu.memory_space<vmem_shared>>) target_semaphore(%arg14 : memref<!tpu.dma_semaphore, #tpu.memory_space<semaphore_mem>>)
    %get3A_51 = arith.constant 3 : i32
    %get3A_52 = arith.index_cast %get3A_51 : i32 to index
    %get3A_53 = arith.constant 0 : index
    %get3A_54 = tpu.vector_load %arg11[%get3A_52, %get3A_53] {strides = array<i32>} : memref<16x16xi32, #tpu.memory_space<vmem>>, vector<16xi32>,
    %slice3A_55 = vector.extract_strided_slice %get3A_54 {offsets = [0], sizes = [1], strides = [1]} : vector<16xi32> to vector<1xi32>
    %squeeze3A_56 = vector.extract %slice3A_55[0] : i32 from vector<1xi32>
    %multiple_of3A_57 = tpu.assume_multiple %squeeze3A_56, 8 : i32
    %dma_start3A_58 = arith.constant 2 : i32
    %dma_start3A_59 = arith.constant 0 : i32
    %dma_start3A_60 = arith.constant 0 : i32
    %dma_start3A_61 = tpu.memref_slice %arg10[%arg1, %dma_start3A_58, %dma_start3A_59, %dma_start3A_60] : memref<16x5x8x2048xf32, #tpu.memory_space<vmem_shared>> -> memref<1x1x8x2048xf32, #tpu.memory_space<vmem_shared>>
    %dma_start3A_62 = tpu.memref_squeeze %dma_start3A_61 : memref<1x1x8x2048xf32, #tpu.memory_space<vmem_shared>> -> memref<8x2048xf32, #tpu.memory_space<vmem_shared>>
    %dma_start3A_63 = arith.constant 0 : i32
    %dma_start3A_64 = tpu.memref_slice %arg2[%multiple_of3A_57, %dma_start3A_63] : memref<4096x2048xf32, #tpu.memory_space<hbm>> -> memref<8x2048xf32, #tpu.memory_space<hbm>>
    tpu.enqueue_dma source(%dma_start3A_64 : memref<8x2048xf32, #tpu.memory_space<hbm>>) target(%dma_start3A_62 : memref<8x2048xf32, #tpu.memory_space<vmem_shared>>) target_semaphore(%arg15 : memref<!tpu.dma_semaphore, #tpu.memory_space<semaphore_mem>>)
    %get3A_65 = arith.constant 4 : i32
    %get3A_66 = arith.index_cast %get3A_65 : i32 to index
    %get3A_67 = arith.constant 0 : index
    %get3A_68 = tpu.vector_load %arg11[%get3A_66, %get3A_67] {strides = array<i32>} : memref<16x16xi32, #tpu.memory_space<vmem>>, vector<16xi32>,
    %slice3A_69 = vector.extract_strided_slice %get3A_68 {offsets = [0], sizes = [1], strides = [1]} : vector<16xi32> to vector<1xi32>
    %squeeze3A_70 = vector.extract %slice3A_69[0] : i32 from vector<1xi32>
    %multiple_of3A_71 = tpu.assume_multiple %squeeze3A_70, 8 : i32
    %dma_start3A_72 = arith.constant 3 : i32
    %dma_start3A_73 = arith.constant 0 : i32
    %dma_start3A_74 = arith.constant 0 : i32
    %dma_start3A_75 = tpu.memref_slice %arg10[%arg1, %dma_start3A_72, %dma_start3A_73, %dma_start3A_74] : memref<16x5x8x2048xf32, #tpu.memory_space<vmem_shared>> -> memref<1x1x8x2048xf32, #tpu.memory_space<vmem_shared>>
    %dma_start3A_76 = tpu.memref_squeeze %dma_start3A_75 : memref<1x1x8x2048xf32, #tpu.memory_space<vmem_shared>> -> memref<8x2048xf32, #tpu.memory_space<vmem_shared>>
    %dma_start3A_77 = arith.constant 0 : i32
    %dma_start3A_78 = tpu.memref_slice %arg2[%multiple_of3A_71, %dma_start3A_77] : memref<4096x2048xf32, #tpu.memory_space<hbm>> -> memref<8x2048xf32, #tpu.memory_space<hbm>>
    tpu.enqueue_dma source(%dma_start3A_78 : memref<8x2048xf32, #tpu.memory_space<hbm>>) target(%dma_start3A_76 : memref<8x2048xf32, #tpu.memory_space<vmem_shared>>) target_semaphore(%arg16 : memref<!tpu.dma_semaphore, #tpu.memory_space<semaphore_mem>>)
    %get3A_79 = arith.constant 5 : i32
    %get3A_80 = arith.index_cast %get3A_79 : i32 to index
    %get3A_81 = arith.constant 0 : index
    %get3A_82 = tpu.vector_load %arg11[%get3A_80, %get3A_81] {strides = array<i32>} : memref<16x16xi32, #tpu.memory_space<vmem>>, vector<16xi32>,
    %slice3A_83 = vector.extract_strided_slice %get3A_82 {offsets = [0], sizes = [1], strides = [1]} : vector<16xi32> to vector<1xi32>
    %squeeze3A_84 = vector.extract %slice3A_83[0] : i32 from vector<1xi32>
    %multiple_of3A_85 = tpu.assume_multiple %squeeze3A_84, 8 : i32
    %dma_start3A_86 = arith.constant 4 : i32
    %dma_start3A_87 = arith.constant 0 : i32
    %dma_start3A_88 = arith.constant 0 : i32
    %dma_start3A_89 = tpu.memref_slice %arg10[%arg1, %dma_start3A_86, %dma_start3A_87, %dma_start3A_88] : memref<16x5x8x2048xf32, #tpu.memory_space<vmem_shared>> -> memref<1x1x8x2048xf32, #tpu.memory_space<vmem_shared>>
    %dma_start3A_90 = tpu.memref_squeeze %dma_start3A_89 : memref<1x1x8x2048xf32, #tpu.memory_space<vmem_shared>> -> memref<8x2048xf32, #tpu.memory_space<vmem_shared>>
    %dma_start3A_91 = arith.constant 0 : i32
    %dma_start3A_92 = tpu.memref_slice %arg2[%multiple_of3A_85, %dma_start3A_91] : memref<4096x2048xf32, #tpu.memory_space<hbm>> -> memref<8x2048xf32, #tpu.memory_space<hbm>>
    tpu.enqueue_dma source(%dma_start3A_92 : memref<8x2048xf32, #tpu.memory_space<hbm>>) target(%dma_start3A_90 : memref<8x2048xf32, #tpu.memory_space<vmem_shared>>) target_semaphore(%arg17 : memref<!tpu.dma_semaphore, #tpu.memory_space<semaphore_mem>>)
    %dma_wait3A = arith.constant 0 : i32
    %dma_wait3A_93 = arith.constant 0 : i32
    %dma_wait3A_94 = arith.constant 0 : i32
    %dma_wait3A_95 = tpu.memref_slice %arg10[%arg1, %dma_wait3A, %dma_wait3A_93, %dma_wait3A_94] : memref<16x5x8x2048xf32, #tpu.memory_space<vmem_shared>> -> memref<1x1x8x2048xf32, #tpu.memory_space<vmem_shared>>
    %dma_wait3A_96 = tpu.memref_squeeze %dma_wait3A_95 : memref<1x1x8x2048xf32, #tpu.memory_space<vmem_shared>> -> memref<8x2048xf32, #tpu.memory_space<vmem_shared>>
    %dma_wait3A_97 = arith.constant 0 : i32
    %dma_wait3A_98 = tpu.memref_slice %arg2[%multiple_of3A_29, %dma_wait3A_97] : memref<4096x2048xf32, #tpu.memory_space<hbm>> -> memref<8x2048xf32, #tpu.memory_space<hbm>>
    tpu.wait_dma2 semaphore(%arg13 : memref<!tpu.dma_semaphore, #tpu.memory_space<semaphore_mem>>) src(%dma_wait3A_98 : memref<8x2048xf32, #tpu.memory_space<hbm>>) dst(%dma_wait3A_96 : memref<8x2048xf32, #tpu.memory_space<vmem_shared>>)
    %get3A_99 = arith.constant 1 : i32
    %get3A_100 = arith.index_cast %get3A_99 : i32 to index
    %get3A_101 = arith.constant 0 : index
    %get3A_102 = tpu.vector_load %arg11[%get3A_100, %get3A_101] {strides = array<i32>} : memref<16x16xi32, #tpu.memory_space<vmem>>, vector<16xi32>,
    %slice3A_103 = vector.extract_strided_slice %get3A_102 {offsets = [0], sizes = [1], strides = [1]} : vector<16xi32> to vector<1xi32>
    %squeeze3A_104 = vector.extract %slice3A_103[0] : i32 from vector<1xi32>
    %multiple_of3A_105 = tpu.assume_multiple %squeeze3A_104, 8 : i32
    %dma_start3A_106 = arith.constant 0 : i32
    %dma_start3A_107 = arith.constant 0 : i32
    %dma_start3A_108 = tpu.memref_slice %arg5[%multiple_of3A_105, %dma_start3A_107] : memref<4096x2048xf32, #tpu.memory_space<hbm>> -> memref<8x2048xf32, #tpu.memory_space<hbm>>
    %dma_start3A_109 = arith.constant 0 : i32
    %dma_start3A_110 = arith.constant 0 : i32
    %dma_start3A_111 = tpu.memref_slice %arg10[%arg1, %dma_start3A_106, %dma_start3A_109, %dma_start3A_110] : memref<16x5x8x2048xf32, #tpu.memory_space<vmem_shared>> -> memref<1x1x8x2048xf32, #tpu.memory_space<vmem_shared>>
    %dma_start3A_112 = tpu.memref_squeeze %dma_start3A_111 : memref<1x1x8x2048xf32, #tpu.memory_space<vmem_shared>> -> memref<8x2048xf32, #tpu.memory_space<vmem_shared>>
    tpu.enqueue_dma source(%dma_start3A_112 : memref<8x2048xf32, #tpu.memory_space<vmem_shared>>) target(%dma_start3A_108 : memref<8x2048xf32, #tpu.memory_space<hbm>>) target_semaphore(%arg18 : memref<!tpu.dma_semaphore, #tpu.memory_space<semaphore_mem>>)
    %dma_wait3A_113 = arith.constant 1 : i32
    %dma_wait3A_114 = arith.constant 0 : i32
    %dma_wait3A_115 = arith.constant 0 : i32
    %dma_wait3A_116 = tpu.memref_slice %arg10[%arg1, %dma_wait3A_113, %dma_wait3A_114, %dma_wait3A_115] : memref<16x5x8x2048xf32, #tpu.memory_space<vmem_shared>> -> memref<1x1x8x2048xf32, #tpu.memory_space<vmem_shared>>
    %dma_wait3A_117 = tpu.memref_squeeze %dma_wait3A_116 : memref<1x1x8x2048xf32, #tpu.memory_space<vmem_shared>> -> memref<8x2048xf32, #tpu.memory_space<vmem_shared>>
    %dma_wait3A_118 = arith.constant 0 : i32
    %dma_wait3A_119 = tpu.memref_slice %arg2[%multiple_of3A_43, %dma_wait3A_118] : memref<4096x2048xf32, #tpu.memory_space<hbm>> -> memref<8x2048xf32, #tpu.memory_space<hbm>>
    tpu.wait_dma2 semaphore(%arg14 : memref<!tpu.dma_semaphore, #tpu.memory_space<semaphore_mem>>) src(%dma_wait3A_119 : memref<8x2048xf32, #tpu.memory_space<hbm>>) dst(%dma_wait3A_117 : memref<8x2048xf32, #tpu.memory_space<vmem_shared>>)
    %get3A_120 = arith.constant 2 : i32
    %get3A_121 = arith.index_cast %get3A_120 : i32 to index
    %get3A_122 = arith.constant 0 : index
    %get3A_123 = tpu.vector_load %arg11[%get3A_121, %get3A_122] {strides = array<i32>} : memref<16x16xi32, #tpu.memory_space<vmem>>, vector<16xi32>,
    %slice3A_124 = vector.extract_strided_slice %get3A_123 {offsets = [0], sizes = [1], strides = [1]} : vector<16xi32> to vector<1xi32>
    %squeeze3A_125 = vector.extract %slice3A_124[0] : i32 from vector<1xi32>
    %multiple_of3A_126 = tpu.assume_multiple %squeeze3A_125, 8 : i32
    %dma_start3A_127 = arith.constant 1 : i32
    %dma_start3A_128 = arith.constant 0 : i32
    %dma_start3A_129 = tpu.memref_slice %arg5[%multiple_of3A_126, %dma_start3A_128] : memref<4096x2048xf32, #tpu.memory_space<hbm>> -> memref<8x2048xf32, #tpu.memory_space<hbm>>
    %dma_start3A_130 = arith.constant 0 : i32
    %dma_start3A_131 = arith.constant 0 : i32
    %dma_start3A_132 = tpu.memref_slice %arg10[%arg1, %dma_start3A_127, %dma_start3A_130, %dma_start3A_131] : memref<16x5x8x2048xf32, #tpu.memory_space<vmem_shared>> -> memref<1x1x8x2048xf32, #tpu.memory_space<vmem_shared>>
    %dma_start3A_133 = tpu.memref_squeeze %dma_start3A_132 : memref<1x1x8x2048xf32, #tpu.memory_space<vmem_shared>> -> memref<8x2048xf32, #tpu.memory_space<vmem_shared>>
    tpu.enqueue_dma source(%dma_start3A_133 : memref<8x2048xf32, #tpu.memory_space<vmem_shared>>) target(%dma_start3A_129 : memref<8x2048xf32, #tpu.memory_space<hbm>>) target_semaphore(%arg19 : memref<!tpu.dma_semaphore, #tpu.memory_space<semaphore_mem>>)
    %dma_wait3A_134 = arith.constant 2 : i32
    %dma_wait3A_135 = arith.constant 0 : i32
    %dma_wait3A_136 = arith.constant 0 : i32
    %dma_wait3A_137 = tpu.memref_slice %arg10[%arg1, %dma_wait3A_134, %dma_wait3A_135, %dma_wait3A_136] : memref<16x5x8x2048xf32, #tpu.memory_space<vmem_shared>> -> memref<1x1x8x2048xf32, #tpu.memory_space<vmem_shared>>
    %dma_wait3A_138 = tpu.memref_squeeze %dma_wait3A_137 : memref<1x1x8x2048xf32, #tpu.memory_space<vmem_shared>> -> memref<8x2048xf32, #tpu.memory_space<vmem_shared>>
    %dma_wait3A_139 = arith.constant 0 : i32
    %dma_wait3A_140 = tpu.memref_slice %arg2[%multiple_of3A_57, %dma_wait3A_139] : memref<4096x2048xf32, #tpu.memory_space<hbm>> -> memref<8x2048xf32, #tpu.memory_space<hbm>>
    tpu.wait_dma2 semaphore(%arg15 : memref<!tpu.dma_semaphore, #tpu.memory_space<semaphore_mem>>) src(%dma_wait3A_140 : memref<8x2048xf32, #tpu.memory_space<hbm>>) dst(%dma_wait3A_138 : memref<8x2048xf32, #tpu.memory_space<vmem_shared>>)
    %get3A_141 = arith.constant 3 : i32
    %get3A_142 = arith.index_cast %get3A_141 : i32 to index
    %get3A_143 = arith.constant 0 : index
    %get3A_144 = tpu.vector_load %arg11[%get3A_142, %get3A_143] {strides = array<i32>} : memref<16x16xi32, #tpu.memory_space<vmem>>, vector<16xi32>,
    %slice3A_145 = vector.extract_strided_slice %get3A_144 {offsets = [0], sizes = [1], strides = [1]} : vector<16xi32> to vector<1xi32>
    %squeeze3A_146 = vector.extract %slice3A_145[0] : i32 from vector<1xi32>
    %multiple_of3A_147 = tpu.assume_multiple %squeeze3A_146, 8 : i32
    %dma_start3A_148 = arith.constant 2 : i32
    %dma_start3A_149 = arith.constant 0 : i32
    %dma_start3A_150 = tpu.memref_slice %arg5[%multiple_of3A_147, %dma_start3A_149] : memref<4096x2048xf32, #tpu.memory_space<hbm>> -> memref<8x2048xf32, #tpu.memory_space<hbm>>
    %dma_start3A_151 = arith.constant 0 : i32
    %dma_start3A_152 = arith.constant 0 : i32
    %dma_start3A_153 = tpu.memref_slice %arg10[%arg1, %dma_start3A_148, %dma_start3A_151, %dma_start3A_152] : memref<16x5x8x2048xf32, #tpu.memory_space<vmem_shared>> -> memref<1x1x8x2048xf32, #tpu.memory_space<vmem_shared>>
    %dma_start3A_154 = tpu.memref_squeeze %dma_start3A_153 : memref<1x1x8x2048xf32, #tpu.memory_space<vmem_shared>> -> memref<8x2048xf32, #tpu.memory_space<vmem_shared>>
    tpu.enqueue_dma source(%dma_start3A_154 : memref<8x2048xf32, #tpu.memory_space<vmem_shared>>) target(%dma_start3A_150 : memref<8x2048xf32, #tpu.memory_space<hbm>>) target_semaphore(%arg20 : memref<!tpu.dma_semaphore, #tpu.memory_space<semaphore_mem>>)
    %dma_wait3A_155 = arith.constant 3 : i32
    %dma_wait3A_156 = arith.constant 0 : i32
    %dma_wait3A_157 = arith.constant 0 : i32
    %dma_wait3A_158 = tpu.memref_slice %arg10[%arg1, %dma_wait3A_155, %dma_wait3A_156, %dma_wait3A_157] : memref<16x5x8x2048xf32, #tpu.memory_space<vmem_shared>> -> memref<1x1x8x2048xf32, #tpu.memory_space<vmem_shared>>
    %dma_wait3A_159 = tpu.memref_squeeze %dma_wait3A_158 : memref<1x1x8x2048xf32, #tpu.memory_space<vmem_shared>> -> memref<8x2048xf32, #tpu.memory_space<vmem_shared>>
    %dma_wait3A_160 = arith.constant 0 : i32
    %dma_wait3A_161 = tpu.memref_slice %arg2[%multiple_of3A_71, %dma_wait3A_160] : memref<4096x2048xf32, #tpu.memory_space<hbm>> -> memref<8x2048xf32, #tpu.memory_space<hbm>>
    tpu.wait_dma2 semaphore(%arg16 : memref<!tpu.dma_semaphore, #tpu.memory_space<semaphore_mem>>) src(%dma_wait3A_161 : memref<8x2048xf32, #tpu.memory_space<hbm>>) dst(%dma_wait3A_159 : memref<8x2048xf32, #tpu.memory_space<vmem_shared>>)
    %get3A_162 = arith.constant 4 : i32
    %get3A_163 = arith.index_cast %get3A_162 : i32 to index
    %get3A_164 = arith.constant 0 : index
    %get3A_165 = tpu.vector_load %arg11[%get3A_163, %get3A_164] {strides = array<i32>} : memref<16x16xi32, #tpu.memory_space<vmem>>, vector<16xi32>,
    %slice3A_166 = vector.extract_strided_slice %get3A_165 {offsets = [0], sizes = [1], strides = [1]} : vector<16xi32> to vector<1xi32>
    %squeeze3A_167 = vector.extract %slice3A_166[0] : i32 from vector<1xi32>
    %multiple_of3A_168 = tpu.assume_multiple %squeeze3A_167, 8 : i32
    %dma_start3A_169 = arith.constant 3 : i32
    %dma_start3A_170 = arith.constant 0 : i32
    %dma_start3A_171 = tpu.memref_slice %arg5[%multiple_of3A_168, %dma_start3A_170] : memref<4096x2048xf32, #tpu.memory_space<hbm>> -> memref<8x2048xf32, #tpu.memory_space<hbm>>
    %dma_start3A_172 = arith.constant 0 : i32
    %dma_start3A_173 = arith.constant 0 : i32
    %dma_start3A_174 = tpu.memref_slice %arg10[%arg1, %dma_start3A_169, %dma_start3A_172, %dma_start3A_173] : memref<16x5x8x2048xf32, #tpu.memory_space<vmem_shared>> -> memref<1x1x8x2048xf32, #tpu.memory_space<vmem_shared>>
    %dma_start3A_175 = tpu.memref_squeeze %dma_start3A_174 : memref<1x1x8x2048xf32, #tpu.memory_space<vmem_shared>> -> memref<8x2048xf32, #tpu.memory_space<vmem_shared>>
    tpu.enqueue_dma source(%dma_start3A_175 : memref<8x2048xf32, #tpu.memory_space<vmem_shared>>) target(%dma_start3A_171 : memref<8x2048xf32, #tpu.memory_space<hbm>>) target_semaphore(%arg21 : memref<!tpu.dma_semaphore, #tpu.memory_space<semaphore_mem>>)
    %dma_wait3A_176 = arith.constant 4 : i32
    %dma_wait3A_177 = arith.constant 0 : i32
    %dma_wait3A_178 = arith.constant 0 : i32
    %dma_wait3A_179 = tpu.memref_slice %arg10[%arg1, %dma_wait3A_176, %dma_wait3A_177, %dma_wait3A_178] : memref<16x5x8x2048xf32, #tpu.memory_space<vmem_shared>> -> memref<1x1x8x2048xf32, #tpu.memory_space<vmem_shared>>
    %dma_wait3A_180 = tpu.memref_squeeze %dma_wait3A_179 : memref<1x1x8x2048xf32, #tpu.memory_space<vmem_shared>> -> memref<8x2048xf32, #tpu.memory_space<vmem_shared>>
    %dma_wait3A_181 = arith.constant 0 : i32
    %dma_wait3A_182 = tpu.memref_slice %arg2[%multiple_of3A_85, %dma_wait3A_181] : memref<4096x2048xf32, #tpu.memory_space<hbm>> -> memref<8x2048xf32, #tpu.memory_space<hbm>>
    tpu.wait_dma2 semaphore(%arg17 : memref<!tpu.dma_semaphore, #tpu.memory_space<semaphore_mem>>) src(%dma_wait3A_182 : memref<8x2048xf32, #tpu.memory_space<hbm>>) dst(%dma_wait3A_180 : memref<8x2048xf32, #tpu.memory_space<vmem_shared>>)
    %get3A_183 = arith.constant 5 : i32
    %get3A_184 = arith.index_cast %get3A_183 : i32 to index
    %get3A_185 = arith.constant 0 : index
    %get3A_186 = tpu.vector_load %arg11[%get3A_184, %get3A_185] {strides = array<i32>} : memref<16x16xi32, #tpu.memory_space<vmem>>, vector<16xi32>,
    %slice3A_187 = vector.extract_strided_slice %get3A_186 {offsets = [0], sizes = [1], strides = [1]} : vector<16xi32> to vector<1xi32>
    %squeeze3A_188 = vector.extract %slice3A_187[0] : i32 from vector<1xi32>
    %multiple_of3A_189 = tpu.assume_multiple %squeeze3A_188, 8 : i32
    %dma_start3A_190 = arith.constant 4 : i32
    %dma_start3A_191 = arith.constant 0 : i32
    %dma_start3A_192 = tpu.memref_slice %arg5[%multiple_of3A_189, %dma_start3A_191] : memref<4096x2048xf32, #tpu.memory_space<hbm>> -> memref<8x2048xf32, #tpu.memory_space<hbm>>
    %dma_start3A_193 = arith.constant 0 : i32
    %dma_start3A_194 = arith.constant 0 : i32
    %dma_start3A_195 = tpu.memref_slice %arg10[%arg1, %dma_start3A_190, %dma_start3A_193, %dma_start3A_194] : memref<16x5x8x2048xf32, #tpu.memory_space<vmem_shared>> -> memref<1x1x8x2048xf32, #tpu.memory_space<vmem_shared>>
    %dma_start3A_196 = tpu.memref_squeeze %dma_start3A_195 : memref<1x1x8x2048xf32, #tpu.memory_space<vmem_shared>> -> memref<8x2048xf32, #tpu.memory_space<vmem_shared>>
    tpu.enqueue_dma source(%dma_start3A_196 : memref<8x2048xf32, #tpu.memory_space<vmem_shared>>) target(%dma_start3A_192 : memref<8x2048xf32, #tpu.memory_space<hbm>>) target_semaphore(%arg22 : memref<!tpu.dma_semaphore, #tpu.memory_space<semaphore_mem>>)
    %dma_wait3A_197 = arith.constant 0 : i32
    %dma_wait3A_198 = arith.constant 0 : i32
    %dma_wait3A_199 = tpu.memref_slice %arg5[%multiple_of3A_105, %dma_wait3A_198] : memref<4096x2048xf32, #tpu.memory_space<hbm>> -> memref<8x2048xf32, #tpu.memory_space<hbm>>
    %dma_wait3A_200 = arith.constant 0 : i32
    %dma_wait3A_201 = arith.constant 0 : i32
    %dma_wait3A_202 = tpu.memref_slice %arg10[%arg1, %dma_wait3A_197, %dma_wait3A_200, %dma_wait3A_201] : memref<16x5x8x2048xf32, #tpu.memory_space<vmem_shared>> -> memref<1x1x8x2048xf32, #tpu.memory_space<vmem_shared>>
    %dma_wait3A_203 = tpu.memref_squeeze %dma_wait3A_202 : memref<1x1x8x2048xf32, #tpu.memory_space<vmem_shared>> -> memref<8x2048xf32, #tpu.memory_space<vmem_shared>>
    tpu.wait_dma2 semaphore(%arg18 : memref<!tpu.dma_semaphore, #tpu.memory_space<semaphore_mem>>) src(%dma_wait3A_203 : memref<8x2048xf32, #tpu.memory_space<vmem_shared>>) dst(%dma_wait3A_199 : memref<8x2048xf32, #tpu.memory_space<hbm>>)
    %get3A_204 = arith.constant 6 : i32
    %get3A_205 = arith.index_cast %get3A_204 : i32 to index
    %get3A_206 = arith.constant 0 : index
    %get3A_207 = tpu.vector_load %arg11[%get3A_205, %get3A_206] {strides = array<i32>} : memref<16x16xi32, #tpu.memory_space<vmem>>, vector<16xi32>,
    %slice3A_208 = vector.extract_strided_slice %get3A_207 {offsets = [0], sizes = [1], strides = [1]} : vector<16xi32> to vector<1xi32>
    %squeeze3A_209 = vector.extract %slice3A_208[0] : i32 from vector<1xi32>
    %multiple_of3A_210 = tpu.assume_multiple %squeeze3A_209, 8 : i32
    %dma_start3A_211 = arith.constant 0 : i32
    %dma_start3A_212 = arith.constant 0 : i32
    %dma_start3A_213 = arith.constant 0 : i32
    %dma_start3A_214 = tpu.memref_slice %arg10[%arg1, %dma_start3A_211, %dma_start3A_212, %dma_start3A_213] : memref<16x5x8x2048xf32, #tpu.memory_space<vmem_shared>> -> memref<1x1x8x2048xf32, #tpu.memory_space<vmem_shared>>
    %dma_start3A_215 = tpu.memref_squeeze %dma_start3A_214 : memref<1x1x8x2048xf32, #tpu.memory_space<vmem_shared>> -> memref<8x2048xf32, #tpu.memory_space<vmem_shared>>
    %dma_start3A_216 = arith.constant 0 : i32
    %dma_start3A_217 = tpu.memref_slice %arg2[%multiple_of3A_210, %dma_start3A_216] : memref<4096x2048xf32, #tpu.memory_space<hbm>> -> memref<8x2048xf32, #tpu.memory_space<hbm>>
    tpu.enqueue_dma source(%dma_start3A_217 : memref<8x2048xf32, #tpu.memory_space<hbm>>) target(%dma_start3A_215 : memref<8x2048xf32, #tpu.memory_space<vmem_shared>>) target_semaphore(%arg13 : memref<!tpu.dma_semaphore, #tpu.memory_space<semaphore_mem>>)
    %dma_wait3A_218 = arith.constant 0 : i32
    %dma_wait3A_219 = arith.constant 0 : i32
    %dma_wait3A_220 = arith.constant 0 : i32
    %dma_wait3A_221 = tpu.memref_slice %arg10[%arg1, %dma_wait3A_218, %dma_wait3A_219, %dma_wait3A_220] : memref<16x5x8x2048xf32, #tpu.memory_space<vmem_shared>> -> memref<1x1x8x2048xf32, #tpu.memory_space<vmem_shared>>
    %dma_wait3A_222 = tpu.memref_squeeze %dma_wait3A_221 : memref<1x1x8x2048xf32, #tpu.memory_space<vmem_shared>> -> memref<8x2048xf32, #tpu.memory_space<vmem_shared>>
    %dma_wait3A_223 = arith.constant 0 : i32
    %dma_wait3A_224 = tpu.memref_slice %arg2[%multiple_of3A_210, %dma_wait3A_223] : memref<4096x2048xf32, #tpu.memory_space<hbm>> -> memref<8x2048xf32, #tpu.memory_space<hbm>>
    tpu.wait_dma2 semaphore(%arg13 : memref<!tpu.dma_semaphore, #tpu.memory_space<semaphore_mem>>) src(%dma_wait3A_224 : memref<8x2048xf32, #tpu.memory_space<hbm>>) dst(%dma_wait3A_222 : memref<8x2048xf32, #tpu.memory_space<vmem_shared>>)
    %get3A_225 = arith.constant 6 : i32
    %get3A_226 = arith.index_cast %get3A_225 : i32 to index
    %get3A_227 = arith.constant 0 : index
    %get3A_228 = tpu.vector_load %arg11[%get3A_226, %get3A_227] {strides = array<i32>} : memref<16x16xi32, #tpu.memory_space<vmem>>, vector<16xi32>,
    %slice3A_229 = vector.extract_strided_slice %get3A_228 {offsets = [0], sizes = [1], strides = [1]} : vector<16xi32> to vector<1xi32>
    %squeeze3A_230 = vector.extract %slice3A_229[0] : i32 from vector<1xi32>
    %multiple_of3A_231 = tpu.assume_multiple %squeeze3A_230, 8 : i32
    %dma_start3A_232 = arith.constant 0 : i32
    %dma_start3A_233 = arith.constant 0 : i32
    %dma_start3A_234 = tpu.memref_slice %arg5[%multiple_of3A_231, %dma_start3A_233] : memref<4096x2048xf32, #tpu.memory_space<hbm>> -> memref<8x2048xf32, #tpu.memory_space<hbm>>
    %dma_start3A_235 = arith.constant 0 : i32
    %dma_start3A_236 = arith.constant 0 : i32
    %dma_start3A_237 = tpu.memref_slice %arg10[%arg1, %dma_start3A_232, %dma_start3A_235, %dma_start3A_236] : memref<16x5x8x2048xf32, #tpu.memory_space<vmem_shared>> -> memref<1x1x8x2048xf32, #tpu.memory_space<vmem_shared>>
    %dma_start3A_238 = tpu.memref_squeeze %dma_start3A_237 : memref<1x1x8x2048xf32, #tpu.memory_space<vmem_shared>> -> memref<8x2048xf32, #tpu.memory_space<vmem_shared>>
    tpu.enqueue_dma source(%dma_start3A_238 : memref<8x2048xf32, #tpu.memory_space<vmem_shared>>) target(%dma_start3A_234 : memref<8x2048xf32, #tpu.memory_space<hbm>>) target_semaphore(%arg18 : memref<!tpu.dma_semaphore, #tpu.memory_space<semaphore_mem>>)
    %dma_wait3A_239 = arith.constant 1 : i32
    %dma_wait3A_240 = arith.constant 0 : i32
    %dma_wait3A_241 = tpu.memref_slice %arg5[%multiple_of3A_126, %dma_wait3A_240] : memref<4096x2048xf32, #tpu.memory_space<hbm>> -> memref<8x2048xf32, #tpu.memory_space<hbm>>
    %dma_wait3A_242 = arith.constant 0 : i32
    %dma_wait3A_243 = arith.constant 0 : i32
    %dma_wait3A_244 = tpu.memref_slice %arg10[%arg1, %dma_wait3A_239, %dma_wait3A_242, %dma_wait3A_243] : memref<16x5x8x2048xf32, #tpu.memory_space<vmem_shared>> -> memref<1x1x8x2048xf32, #tpu.memory_space<vmem_shared>>
    %dma_wait3A_245 = tpu.memref_squeeze %dma_wait3A_244 : memref<1x1x8x2048xf32, #tpu.memory_space<vmem_shared>> -> memref<8x2048xf32, #tpu.memory_space<vmem_shared>>
    tpu.wait_dma2 semaphore(%arg19 : memref<!tpu.dma_semaphore, #tpu.memory_space<semaphore_mem>>) src(%dma_wait3A_245 : memref<8x2048xf32, #tpu.memory_space<vmem_shared>>) dst(%dma_wait3A_241 : memref<8x2048xf32, #tpu.memory_space<hbm>>)
    %get3A_246 = arith.constant 7 : i32
    %get3A_247 = arith.index_cast %get3A_246 : i32 to index
    %get3A_248 = arith.constant 0 : index
    %get3A_249 = tpu.vector_load %arg11[%get3A_247, %get3A_248] {strides = array<i32>} : memref<16x16xi32, #tpu.memory_space<vmem>>, vector<16xi32>,
    %slice3A_250 = vector.extract_strided_slice %get3A_249 {offsets = [0], sizes = [1], strides = [1]} : vector<16xi32> to vector<1xi32>
    %squeeze3A_251 = vector.extract %slice3A_250[0] : i32 from vector<1xi32>
    %multiple_of3A_252 = tpu.assume_multiple %squeeze3A_251, 8 : i32
    %dma_start3A_253 = arith.constant 1 : i32
    %dma_start3A_254 = arith.constant 0 : i32
    %dma_start3A_255 = arith.constant 0 : i32
    %dma_start3A_256 = tpu.memref_slice %arg10[%arg1, %dma_start3A_253, %dma_start3A_254, %dma_start3A_255] : memref<16x5x8x2048xf32, #tpu.memory_space<vmem_shared>> -> memref<1x1x8x2048xf32, #tpu.memory_space<vmem_shared>>
    %dma_start3A_257 = tpu.memref_squeeze %dma_start3A_256 : memref<1x1x8x2048xf32, #tpu.memory_space<vmem_shared>> -> memref<8x2048xf32, #tpu.memory_space<vmem_shared>>
    %dma_start3A_258 = arith.constant 0 : i32
    %dma_start3A_259 = tpu.memref_slice %arg2[%multiple_of3A_252, %dma_start3A_258] : memref<4096x2048xf32, #tpu.memory_space<hbm>> -> memref<8x2048xf32, #tpu.memory_space<hbm>>
    tpu.enqueue_dma source(%dma_start3A_259 : memref<8x2048xf32, #tpu.memory_space<hbm>>) target(%dma_start3A_257 : memref<8x2048xf32, #tpu.memory_space<vmem_shared>>) target_semaphore(%arg14 : memref<!tpu.dma_semaphore, #tpu.memory_space<semaphore_mem>>)
    %dma_wait3A_260 = arith.constant 1 : i32
    %dma_wait3A_261 = arith.constant 0 : i32
    %dma_wait3A_262 = arith.constant 0 : i32
    %dma_wait3A_263 = tpu.memref_slice %arg10[%arg1, %dma_wait3A_260, %dma_wait3A_261, %dma_wait3A_262] : memref<16x5x8x2048xf32, #tpu.memory_space<vmem_shared>> -> memref<1x1x8x2048xf32, #tpu.memory_space<vmem_shared>>
    %dma_wait3A_264 = tpu.memref_squeeze %dma_wait3A_263 : memref<1x1x8x2048xf32, #tpu.memory_space<vmem_shared>> -> memref<8x2048xf32, #tpu.memory_space<vmem_shared>>
    %dma_wait3A_265 = arith.constant 0 : i32
    %dma_wait3A_266 = tpu.memref_slice %arg2[%multiple_of3A_252, %dma_wait3A_265] : memref<4096x2048xf32, #tpu.memory_space<hbm>> -> memref<8x2048xf32, #tpu.memory_space<hbm>>
    tpu.wait_dma2 semaphore(%arg14 : memref<!tpu.dma_semaphore, #tpu.memory_space<semaphore_mem>>) src(%dma_wait3A_266 : memref<8x2048xf32, #tpu.memory_space<hbm>>) dst(%dma_wait3A_264 : memref<8x2048xf32, #tpu.memory_space<vmem_shared>>)
    %get3A_267 = arith.constant 7 : i32
    %get3A_268 = arith.index_cast %get3A_267 : i32 to index
    %get3A_269 = arith.constant 0 : index
    %get3A_270 = tpu.vector_load %arg11[%get3A_268, %get3A_269] {strides = array<i32>} : memref<16x16xi32, #tpu.memory_space<vmem>>, vector<16xi32>,
    %slice3A_271 = vector.extract_strided_slice %get3A_270 {offsets = [0], sizes = [1], strides = [1]} : vector<16xi32> to vector<1xi32>
    %squeeze3A_272 = vector.extract %slice3A_271[0] : i32 from vector<1xi32>
    %multiple_of3A_273 = tpu.assume_multiple %squeeze3A_272, 8 : i32
    %dma_start3A_274 = arith.constant 1 : i32
    %dma_start3A_275 = arith.constant 0 : i32
    %dma_start3A_276 = tpu.memref_slice %arg5[%multiple_of3A_273, %dma_start3A_275] : memref<4096x2048xf32, #tpu.memory_space<hbm>> -> memref<8x2048xf32, #tpu.memory_space<hbm>>
    %dma_start3A_277 = arith.constant 0 : i32
    %dma_start3A_278 = arith.constant 0 : i32
    %dma_start3A_279 = tpu.memref_slice %arg10[%arg1, %dma_start3A_274, %dma_start3A_277, %dma_start3A_278] : memref<16x5x8x2048xf32, #tpu.memory_space<vmem_shared>> -> memref<1x1x8x2048xf32, #tpu.memory_space<vmem_shared>>
    %dma_start3A_280 = tpu.memref_squeeze %dma_start3A_279 : memref<1x1x8x2048xf32, #tpu.memory_space<vmem_shared>> -> memref<8x2048xf32, #tpu.memory_space<vmem_shared>>
    tpu.enqueue_dma source(%dma_start3A_280 : memref<8x2048xf32, #tpu.memory_space<vmem_shared>>) target(%dma_start3A_276 : memref<8x2048xf32, #tpu.memory_space<hbm>>) target_semaphore(%arg19 : memref<!tpu.dma_semaphore, #tpu.memory_space<semaphore_mem>>)
    %dma_wait3A_281 = arith.constant 2 : i32
    %dma_wait3A_282 = arith.constant 0 : i32
    %dma_wait3A_283 = tpu.memref_slice %arg5[%multiple_of3A_147, %dma_wait3A_282] : memref<4096x2048xf32, #tpu.memory_space<hbm>> -> memref<8x2048xf32, #tpu.memory_space<hbm>>
    %dma_wait3A_284 = arith.constant 0 : i32
    %dma_wait3A_285 = arith.constant 0 : i32
    %dma_wait3A_286 = tpu.memref_slice %arg10[%arg1, %dma_wait3A_281, %dma_wait3A_284, %dma_wait3A_285] : memref<16x5x8x2048xf32, #tpu.memory_space<vmem_shared>> -> memref<1x1x8x2048xf32, #tpu.memory_space<vmem_shared>>
    %dma_wait3A_287 = tpu.memref_squeeze %dma_wait3A_286 : memref<1x1x8x2048xf32, #tpu.memory_space<vmem_shared>> -> memref<8x2048xf32, #tpu.memory_space<vmem_shared>>
    tpu.wait_dma2 semaphore(%arg20 : memref<!tpu.dma_semaphore, #tpu.memory_space<semaphore_mem>>) src(%dma_wait3A_287 : memref<8x2048xf32, #tpu.memory_space<vmem_shared>>) dst(%dma_wait3A_283 : memref<8x2048xf32, #tpu.memory_space<hbm>>)
    %get3A_288 = arith.constant 8 : i32
    %get3A_289 = arith.index_cast %get3A_288 : i32 to index
    %get3A_290 = arith.constant 0 : index
    %get3A_291 = tpu.vector_load %arg11[%get3A_289, %get3A_290] {strides = array<i32>} : memref<16x16xi32, #tpu.memory_space<vmem>>, vector<16xi32>,
    %slice3A_292 = vector.extract_strided_slice %get3A_291 {offsets = [0], sizes = [1], strides = [1]} : vector<16xi32> to vector<1xi32>
    %squeeze3A_293 = vector.extract %slice3A_292[0] : i32 from vector<1xi32>
    %multiple_of3A_294 = tpu.assume_multiple %squeeze3A_293, 8 : i32
    %dma_start3A_295 = arith.constant 2 : i32
    %dma_start3A_296 = arith.constant 0 : i32
    %dma_start3A_297 = arith.constant 0 : i32
    %dma_start3A_298 = tpu.memref_slice %arg10[%arg1, %dma_start3A_295, %dma_start3A_296, %dma_start3A_297] : memref<16x5x8x2048xf32, #tpu.memory_space<vmem_shared>> -> memref<1x1x8x2048xf32, #tpu.memory_space<vmem_shared>>
    %dma_start3A_299 = tpu.memref_squeeze %dma_start3A_298 : memref<1x1x8x2048xf32, #tpu.memory_space<vmem_shared>> -> memref<8x2048xf32, #tpu.memory_space<vmem_shared>>
    %dma_start3A_300 = arith.constant 0 : i32
    %dma_start3A_301 = tpu.memref_slice %arg2[%multiple_of3A_294, %dma_start3A_300] : memref<4096x2048xf32, #tpu.memory_space<hbm>> -> memref<8x2048xf32, #tpu.memory_space<hbm>>
    tpu.enqueue_dma source(%dma_start3A_301 : memref<8x2048xf32, #tpu.memory_space<hbm>>) target(%dma_start3A_299 : memref<8x2048xf32, #tpu.memory_space<vmem_shared>>) target_semaphore(%arg15 : memref<!tpu.dma_semaphore, #tpu.memory_space<semaphore_mem>>)
    %dma_wait3A_302 = arith.constant 2 : i32
    %dma_wait3A_303 = arith.constant 0 : i32
    %dma_wait3A_304 = arith.constant 0 : i32
    %dma_wait3A_305 = tpu.memref_slice %arg10[%arg1, %dma_wait3A_302, %dma_wait3A_303, %dma_wait3A_304] : memref<16x5x8x2048xf32, #tpu.memory_space<vmem_shared>> -> memref<1x1x8x2048xf32, #tpu.memory_space<vmem_shared>>
    %dma_wait3A_306 = tpu.memref_squeeze %dma_wait3A_305 : memref<1x1x8x2048xf32, #tpu.memory_space<vmem_shared>> -> memref<8x2048xf32, #tpu.memory_space<vmem_shared>>
    %dma_wait3A_307 = arith.constant 0 : i32
    %dma_wait3A_308 = tpu.memref_slice %arg2[%multiple_of3A_294, %dma_wait3A_307] : memref<4096x2048xf32, #tpu.memory_space<hbm>> -> memref<8x2048xf32, #tpu.memory_space<hbm>>
    tpu.wait_dma2 semaphore(%arg15 : memref<!tpu.dma_semaphore, #tpu.memory_space<semaphore_mem>>) src(%dma_wait3A_308 : memref<8x2048xf32, #tpu.memory_space<hbm>>) dst(%dma_wait3A_306 : memref<8x2048xf32, #tpu.memory_space<vmem_shared>>)
    %get3A_309 = arith.constant 8 : i32
    %get3A_310 = arith.index_cast %get3A_309 : i32 to index
    %get3A_311 = arith.constant 0 : index
    %get3A_312 = tpu.vector_load %arg11[%get3A_310, %get3A_311] {strides = array<i32>} : memref<16x16xi32, #tpu.memory_space<vmem>>, vector<16xi32>,
    %slice3A_313 = vector.extract_strided_slice %get3A_312 {offsets = [0], sizes = [1], strides = [1]} : vector<16xi32> to vector<1xi32>
    %squeeze3A_314 = vector.extract %slice3A_313[0] : i32 from vector<1xi32>
    %multiple_of3A_315 = tpu.assume_multiple %squeeze3A_314, 8 : i32
    %dma_start3A_316 = arith.constant 2 : i32
    %dma_start3A_317 = arith.constant 0 : i32
    %dma_start3A_318 = tpu.memref_slice %arg5[%multiple_of3A_315, %dma_start3A_317] : memref<4096x2048xf32, #tpu.memory_space<hbm>> -> memref<8x2048xf32, #tpu.memory_space<hbm>>
    %dma_start3A_319 = arith.constant 0 : i32
    %dma_start3A_320 = arith.constant 0 : i32
    %dma_start3A_321 = tpu.memref_slice %arg10[%arg1, %dma_start3A_316, %dma_start3A_319, %dma_start3A_320] : memref<16x5x8x2048xf32, #tpu.memory_space<vmem_shared>> -> memref<1x1x8x2048xf32, #tpu.memory_space<vmem_shared>>
    %dma_start3A_322 = tpu.memref_squeeze %dma_start3A_321 : memref<1x1x8x2048xf32, #tpu.memory_space<vmem_shared>> -> memref<8x2048xf32, #tpu.memory_space<vmem_shared>>
    tpu.enqueue_dma source(%dma_start3A_322 : memref<8x2048xf32, #tpu.memory_space<vmem_shared>>) target(%dma_start3A_318 : memref<8x2048xf32, #tpu.memory_space<hbm>>) target_semaphore(%arg20 : memref<!tpu.dma_semaphore, #tpu.memory_space<semaphore_mem>>)
    %dma_wait3A_323 = arith.constant 3 : i32
    %dma_wait3A_324 = arith.constant 0 : i32
    %dma_wait3A_325 = tpu.memref_slice %arg5[%multiple_of3A_168, %dma_wait3A_324] : memref<4096x2048xf32, #tpu.memory_space<hbm>> -> memref<8x2048xf32, #tpu.memory_space<hbm>>
    %dma_wait3A_326 = arith.constant 0 : i32
    %dma_wait3A_327 = arith.constant 0 : i32
    %dma_wait3A_328 = tpu.memref_slice %arg10[%arg1, %dma_wait3A_323, %dma_wait3A_326, %dma_wait3A_327] : memref<16x5x8x2048xf32, #tpu.memory_space<vmem_shared>> -> memref<1x1x8x2048xf32, #tpu.memory_space<vmem_shared>>
    %dma_wait3A_329 = tpu.memref_squeeze %dma_wait3A_328 : memref<1x1x8x2048xf32, #tpu.memory_space<vmem_shared>> -> memref<8x2048xf32, #tpu.memory_space<vmem_shared>>
    tpu.wait_dma2 semaphore(%arg21 : memref<!tpu.dma_semaphore, #tpu.memory_space<semaphore_mem>>) src(%dma_wait3A_329 : memref<8x2048xf32, #tpu.memory_space<vmem_shared>>) dst(%dma_wait3A_325 : memref<8x2048xf32, #tpu.memory_space<hbm>>)
    %get3A_330 = arith.constant 9 : i32
    %get3A_331 = arith.index_cast %get3A_330 : i32 to index
    %get3A_332 = arith.constant 0 : index
    %get3A_333 = tpu.vector_load %arg11[%get3A_331, %get3A_332] {strides = array<i32>} : memref<16x16xi32, #tpu.memory_space<vmem>>, vector<16xi32>,
    %slice3A_334 = vector.extract_strided_slice %get3A_333 {offsets = [0], sizes = [1], strides = [1]} : vector<16xi32> to vector<1xi32>
    %squeeze3A_335 = vector.extract %slice3A_334[0] : i32 from vector<1xi32>
    %multiple_of3A_336 = tpu.assume_multiple %squeeze3A_335, 8 : i32
    %dma_start3A_337 = arith.constant 3 : i32
    %dma_start3A_338 = arith.constant 0 : i32
    %dma_start3A_339 = arith.constant 0 : i32
    %dma_start3A_340 = tpu.memref_slice %arg10[%arg1, %dma_start3A_337, %dma_start3A_338, %dma_start3A_339] : memref<16x5x8x2048xf32, #tpu.memory_space<vmem_shared>> -> memref<1x1x8x2048xf32, #tpu.memory_space<vmem_shared>>
    %dma_start3A_341 = tpu.memref_squeeze %dma_start3A_340 : memref<1x1x8x2048xf32, #tpu.memory_space<vmem_shared>> -> memref<8x2048xf32, #tpu.memory_space<vmem_shared>>
    %dma_start3A_342 = arith.constant 0 : i32
    %dma_start3A_343 = tpu.memref_slice %arg2[%multiple_of3A_336, %dma_start3A_342] : memref<4096x2048xf32, #tpu.memory_space<hbm>> -> memref<8x2048xf32, #tpu.memory_space<hbm>>
    tpu.enqueue_dma source(%dma_start3A_343 : memref<8x2048xf32, #tpu.memory_space<hbm>>) target(%dma_start3A_341 : memref<8x2048xf32, #tpu.memory_space<vmem_shared>>) target_semaphore(%arg16 : memref<!tpu.dma_semaphore, #tpu.memory_space<semaphore_mem>>)
    %dma_wait3A_344 = arith.constant 3 : i32
    %dma_wait3A_345 = arith.constant 0 : i32
    %dma_wait3A_346 = arith.constant 0 : i32
    %dma_wait3A_347 = tpu.memref_slice %arg10[%arg1, %dma_wait3A_344, %dma_wait3A_345, %dma_wait3A_346] : memref<16x5x8x2048xf32, #tpu.memory_space<vmem_shared>> -> memref<1x1x8x2048xf32, #tpu.memory_space<vmem_shared>>
    %dma_wait3A_348 = tpu.memref_squeeze %dma_wait3A_347 : memref<1x1x8x2048xf32, #tpu.memory_space<vmem_shared>> -> memref<8x2048xf32, #tpu.memory_space<vmem_shared>>
    %dma_wait3A_349 = arith.constant 0 : i32
    %dma_wait3A_350 = tpu.memref_slice %arg2[%multiple_of3A_336, %dma_wait3A_349] : memref<4096x2048xf32, #tpu.memory_space<hbm>> -> memref<8x2048xf32, #tpu.memory_space<hbm>>
    tpu.wait_dma2 semaphore(%arg16 : memref<!tpu.dma_semaphore, #tpu.memory_space<semaphore_mem>>) src(%dma_wait3A_350 : memref<8x2048xf32, #tpu.memory_space<hbm>>) dst(%dma_wait3A_348 : memref<8x2048xf32, #tpu.memory_space<vmem_shared>>)
    %get3A_351 = arith.constant 9 : i32
    %get3A_352 = arith.index_cast %get3A_351 : i32 to index
    %get3A_353 = arith.constant 0 : index
    %get3A_354 = tpu.vector_load %arg11[%get3A_352, %get3A_353] {strides = array<i32>} : memref<16x16xi32, #tpu.memory_space<vmem>>, vector<16xi32>,
    %slice3A_355 = vector.extract_strided_slice %get3A_354 {offsets = [0], sizes = [1], strides = [1]} : vector<16xi32> to vector<1xi32>
    %squeeze3A_356 = vector.extract %slice3A_355[0] : i32 from vector<1xi32>
    %multiple_of3A_357 = tpu.assume_multiple %squeeze3A_356, 8 : i32
    %dma_start3A_358 = arith.constant 3 : i32
    %dma_start3A_359 = arith.constant 0 : i32
    %dma_start3A_360 = tpu.memref_slice %arg5[%multiple_of3A_357, %dma_start3A_359] : memref<4096x2048xf32, #tpu.memory_space<hbm>> -> memref<8x2048xf32, #tpu.memory_space<hbm>>
    %dma_start3A_361 = arith.constant 0 : i32
    %dma_start3A_362 = arith.constant 0 : i32
    %dma_start3A_363 = tpu.memref_slice %arg10[%arg1, %dma_start3A_358, %dma_start3A_361, %dma_start3A_362] : memref<16x5x8x2048xf32, #tpu.memory_space<vmem_shared>> -> memref<1x1x8x2048xf32, #tpu.memory_space<vmem_shared>>
    %dma_start3A_364 = tpu.memref_squeeze %dma_start3A_363 : memref<1x1x8x2048xf32, #tpu.memory_space<vmem_shared>> -> memref<8x2048xf32, #tpu.memory_space<vmem_shared>>
    tpu.enqueue_dma source(%dma_start3A_364 : memref<8x2048xf32, #tpu.memory_space<vmem_shared>>) target(%dma_start3A_360 : memref<8x2048xf32, #tpu.memory_space<hbm>>) target_semaphore(%arg21 : memref<!tpu.dma_semaphore, #tpu.memory_space<semaphore_mem>>)
    %dma_wait3A_365 = arith.constant 4 : i32
    %dma_wait3A_366 = arith.constant 0 : i32
    %dma_wait3A_367 = tpu.memref_slice %arg5[%multiple_of3A_189, %dma_wait3A_366] : memref<4096x2048xf32, #tpu.memory_space<hbm>> -> memref<8x2048xf32, #tpu.memory_space<hbm>>
    %dma_wait3A_368 = arith.constant 0 : i32
    %dma_wait3A_369 = arith.constant 0 : i32
    %dma_wait3A_370 = tpu.memref_slice %arg10[%arg1, %dma_wait3A_365, %dma_wait3A_368, %dma_wait3A_369] : memref<16x5x8x2048xf32, #tpu.memory_space<vmem_shared>> -> memref<1x1x8x2048xf32, #tpu.memory_space<vmem_shared>>
    %dma_wait3A_371 = tpu.memref_squeeze %dma_wait3A_370 : memref<1x1x8x2048xf32, #tpu.memory_space<vmem_shared>> -> memref<8x2048xf32, #tpu.memory_space<vmem_shared>>
    tpu.wait_dma2 semaphore(%arg22 : memref<!tpu.dma_semaphore, #tpu.memory_space<semaphore_mem>>) src(%dma_wait3A_371 : memref<8x2048xf32, #tpu.memory_space<vmem_shared>>) dst(%dma_wait3A_367 : memref<8x2048xf32, #tpu.memory_space<hbm>>)
    %get3A_372 = arith.constant 10 : i32
    %get3A_373 = arith.index_cast %get3A_372 : i32 to index
    %get3A_374 = arith.constant 0 : index
    %get3A_375 = tpu.vector_load %arg11[%get3A_373, %get3A_374] {strides = array<i32>} : memref<16x16xi32, #tpu.memory_space<vmem>>, vector<16xi32>,
    %slice3A_376 = vector.extract_strided_slice %get3A_375 {offsets = [0], sizes = [1], strides = [1]} : vector<16xi32> to vector<1xi32>
    %squeeze3A_377 = vector.extract %slice3A_376[0] : i32 from vector<1xi32>
    %multiple_of3A_378 = tpu.assume_multiple %squeeze3A_377, 8 : i32
    %dma_start3A_379 = arith.constant 4 : i32
    %dma_start3A_380 = arith.constant 0 : i32
    %dma_start3A_381 = arith.constant 0 : i32
    %dma_start3A_382 = tpu.memref_slice %arg10[%arg1, %dma_start3A_379, %dma_start3A_380, %dma_start3A_381] : memref<16x5x8x2048xf32, #tpu.memory_space<vmem_shared>> -> memref<1x1x8x2048xf32, #tpu.memory_space<vmem_shared>>
    %dma_start3A_383 = tpu.memref_squeeze %dma_start3A_382 : memref<1x1x8x2048xf32, #tpu.memory_space<vmem_shared>> -> memref<8x2048xf32, #tpu.memory_space<vmem_shared>>
    %dma_start3A_384 = arith.constant 0 : i32
    %dma_start3A_385 = tpu.memref_slice %arg2[%multiple_of3A_378, %dma_start3A_384] : memref<4096x2048xf32, #tpu.memory_space<hbm>> -> memref<8x2048xf32, #tpu.memory_space<hbm>>
    tpu.enqueue_dma source(%dma_start3A_385 : memref<8x2048xf32, #tpu.memory_space<hbm>>) target(%dma_start3A_383 : memref<8x2048xf32, #tpu.memory_space<vmem_shared>>) target_semaphore(%arg17 : memref<!tpu.dma_semaphore, #tpu.memory_space<semaphore_mem>>)
    %dma_wait3A_386 = arith.constant 4 : i32
    %dma_wait3A_387 = arith.constant 0 : i32
    %dma_wait3A_388 = arith.constant 0 : i32
    %dma_wait3A_389 = tpu.memref_slice %arg10[%arg1, %dma_wait3A_386, %dma_wait3A_387, %dma_wait3A_388] : memref<16x5x8x2048xf32, #tpu.memory_space<vmem_shared>> -> memref<1x1x8x2048xf32, #tpu.memory_space<vmem_shared>>
    %dma_wait3A_390 = tpu.memref_squeeze %dma_wait3A_389 : memref<1x1x8x2048xf32, #tpu.memory_space<vmem_shared>> -> memref<8x2048xf32, #tpu.memory_space<vmem_shared>>
    %dma_wait3A_391 = arith.constant 0 : i32
    %dma_wait3A_392 = tpu.memref_slice %arg2[%multiple_of3A_378, %dma_wait3A_391] : memref<4096x2048xf32, #tpu.memory_space<hbm>> -> memref<8x2048xf32, #tpu.memory_space<hbm>>
    tpu.wait_dma2 semaphore(%arg17 : memref<!tpu.dma_semaphore, #tpu.memory_space<semaphore_mem>>) src(%dma_wait3A_392 : memref<8x2048xf32, #tpu.memory_space<hbm>>) dst(%dma_wait3A_390 : memref<8x2048xf32, #tpu.memory_space<vmem_shared>>)
    %get3A_393 = arith.constant 10 : i32
    %get3A_394 = arith.index_cast %get3A_393 : i32 to index
    %get3A_395 = arith.constant 0 : index
    %get3A_396 = tpu.vector_load %arg11[%get3A_394, %get3A_395] {strides = array<i32>} : memref<16x16xi32, #tpu.memory_space<vmem>>, vector<16xi32>,
    %slice3A_397 = vector.extract_strided_slice %get3A_396 {offsets = [0], sizes = [1], strides = [1]} : vector<16xi32> to vector<1xi32>
    %squeeze3A_398 = vector.extract %slice3A_397[0] : i32 from vector<1xi32>
    %multiple_of3A_399 = tpu.assume_multiple %squeeze3A_398, 8 : i32
    %dma_start3A_400 = arith.constant 4 : i32
    %dma_start3A_401 = arith.constant 0 : i32
    %dma_start3A_402 = tpu.memref_slice %arg5[%multiple_of3A_399, %dma_start3A_401] : memref<4096x2048xf32, #tpu.memory_space<hbm>> -> memref<8x2048xf32, #tpu.memory_space<hbm>>
    %dma_start3A_403 = arith.constant 0 : i32
    %dma_start3A_404 = arith.constant 0 : i32
    %dma_start3A_405 = tpu.memref_slice %arg10[%arg1, %dma_start3A_400, %dma_start3A_403, %dma_start3A_404] : memref<16x5x8x2048xf32, #tpu.memory_space<vmem_shared>> -> memref<1x1x8x2048xf32, #tpu.memory_space<vmem_shared>>
    %dma_start3A_406 = tpu.memref_squeeze %dma_start3A_405 : memref<1x1x8x2048xf32, #tpu.memory_space<vmem_shared>> -> memref<8x2048xf32, #tpu.memory_space<vmem_shared>>
    tpu.enqueue_dma source(%dma_start3A_406 : memref<8x2048xf32, #tpu.memory_space<vmem_shared>>) target(%dma_start3A_402 : memref<8x2048xf32, #tpu.memory_space<hbm>>) target_semaphore(%arg22 : memref<!tpu.dma_semaphore, #tpu.memory_space<semaphore_mem>>)
    %dma_wait3A_407 = arith.constant 0 : i32
    %dma_wait3A_408 = arith.constant 0 : i32
    %dma_wait3A_409 = tpu.memref_slice %arg5[%multiple_of3A_231, %dma_wait3A_408] : memref<4096x2048xf32, #tpu.memory_space<hbm>> -> memref<8x2048xf32, #tpu.memory_space<hbm>>
    %dma_wait3A_410 = arith.constant 0 : i32
    %dma_wait3A_411 = arith.constant 0 : i32
    %dma_wait3A_412 = tpu.memref_slice %arg10[%arg1, %dma_wait3A_407, %dma_wait3A_410, %dma_wait3A_411] : memref<16x5x8x2048xf32, #tpu.memory_space<vmem_shared>> -> memref<1x1x8x2048xf32, #tpu.memory_space<vmem_shared>>
    %dma_wait3A_413 = tpu.memref_squeeze %dma_wait3A_412 : memref<1x1x8x2048xf32, #tpu.memory_space<vmem_shared>> -> memref<8x2048xf32, #tpu.memory_space<vmem_shared>>
    tpu.wait_dma2 semaphore(%arg18 : memref<!tpu.dma_semaphore, #tpu.memory_space<semaphore_mem>>) src(%dma_wait3A_413 : memref<8x2048xf32, #tpu.memory_space<vmem_shared>>) dst(%dma_wait3A_409 : memref<8x2048xf32, #tpu.memory_space<hbm>>)
    %get3A_414 = arith.constant 11 : i32
    %get3A_415 = arith.index_cast %get3A_414 : i32 to index
    %get3A_416 = arith.constant 0 : index
    %get3A_417 = tpu.vector_load %arg11[%get3A_415, %get3A_416] {strides = array<i32>} : memref<16x16xi32, #tpu.memory_space<vmem>>, vector<16xi32>,
    %slice3A_418 = vector.extract_strided_slice %get3A_417 {offsets = [0], sizes = [1], strides = [1]} : vector<16xi32> to vector<1xi32>
    %squeeze3A_419 = vector.extract %slice3A_418[0] : i32 from vector<1xi32>
    %multiple_of3A_420 = tpu.assume_multiple %squeeze3A_419, 8 : i32
    %dma_start3A_421 = arith.constant 0 : i32
    %dma_start3A_422 = arith.constant 0 : i32
    %dma_start3A_423 = arith.constant 0 : i32
    %dma_start3A_424 = tpu.memref_slice %arg10[%arg1, %dma_start3A_421, %dma_start3A_422, %dma_start3A_423] : memref<16x5x8x2048xf32, #tpu.memory_space<vmem_shared>> -> memref<1x1x8x2048xf32, #tpu.memory_space<vmem_shared>>
    %dma_start3A_425 = tpu.memref_squeeze %dma_start3A_424 : memref<1x1x8x2048xf32, #tpu.memory_space<vmem_shared>> -> memref<8x2048xf32, #tpu.memory_space<vmem_shared>>
    %dma_start3A_426 = arith.constant 0 : i32
    %dma_start3A_427 = tpu.memref_slice %arg2[%multiple_of3A_420, %dma_start3A_426] : memref<4096x2048xf32, #tpu.memory_space<hbm>> -> memref<8x2048xf32, #tpu.memory_space<hbm>>
    tpu.enqueue_dma source(%dma_start3A_427 : memref<8x2048xf32, #tpu.memory_space<hbm>>) target(%dma_start3A_425 : memref<8x2048xf32, #tpu.memory_space<vmem_shared>>) target_semaphore(%arg13 : memref<!tpu.dma_semaphore, #tpu.memory_space<semaphore_mem>>)
    %dma_wait3A_428 = arith.constant 0 : i32
    %dma_wait3A_429 = arith.constant 0 : i32
    %dma_wait3A_430 = arith.constant 0 : i32
    %dma_wait3A_431 = tpu.memref_slice %arg10[%arg1, %dma_wait3A_428, %dma_wait3A_429, %dma_wait3A_430] : memref<16x5x8x2048xf32, #tpu.memory_space<vmem_shared>> -> memref<1x1x8x2048xf32, #tpu.memory_space<vmem_shared>>
    %dma_wait3A_432 = tpu.memref_squeeze %dma_wait3A_431 : memref<1x1x8x2048xf32, #tpu.memory_space<vmem_shared>> -> memref<8x2048xf32, #tpu.memory_space<vmem_shared>>
    %dma_wait3A_433 = arith.constant 0 : i32
    %dma_wait3A_434 = tpu.memref_slice %arg2[%multiple_of3A_420, %dma_wait3A_433] : memref<4096x2048xf32, #tpu.memory_space<hbm>> -> memref<8x2048xf32, #tpu.memory_space<hbm>>
    tpu.wait_dma2 semaphore(%arg13 : memref<!tpu.dma_semaphore, #tpu.memory_space<semaphore_mem>>) src(%dma_wait3A_434 : memref<8x2048xf32, #tpu.memory_space<hbm>>) dst(%dma_wait3A_432 : memref<8x2048xf32, #tpu.memory_space<vmem_shared>>)
    %get3A_435 = arith.constant 11 : i32
    %get3A_436 = arith.index_cast %get3A_435 : i32 to index
    %get3A_437 = arith.constant 0 : index
    %get3A_438 = tpu.vector_load %arg11[%get3A_436, %get3A_437] {strides = array<i32>} : memref<16x16xi32, #tpu.memory_space<vmem>>, vector<16xi32>,
    %slice3A_439 = vector.extract_strided_slice %get3A_438 {offsets = [0], sizes = [1], strides = [1]} : vector<16xi32> to vector<1xi32>
    %squeeze3A_440 = vector.extract %slice3A_439[0] : i32 from vector<1xi32>
    %multiple_of3A_441 = tpu.assume_multiple %squeeze3A_440, 8 : i32
    %dma_start3A_442 = arith.constant 0 : i32
    %dma_start3A_443 = arith.constant 0 : i32
    %dma_start3A_444 = tpu.memref_slice %arg5[%multiple_of3A_441, %dma_start3A_443] : memref<4096x2048xf32, #tpu.memory_space<hbm>> -> memref<8x2048xf32, #tpu.memory_space<hbm>>
    %dma_start3A_445 = arith.constant 0 : i32
    %dma_start3A_446 = arith.constant 0 : i32
    %dma_start3A_447 = tpu.memref_slice %arg10[%arg1, %dma_start3A_442, %dma_start3A_445, %dma_start3A_446] : memref<16x5x8x2048xf32, #tpu.memory_space<vmem_shared>> -> memref<1x1x8x2048xf32, #tpu.memory_space<vmem_shared>>
    %dma_start3A_448 = tpu.memref_squeeze %dma_start3A_447 : memref<1x1x8x2048xf32, #tpu.memory_space<vmem_shared>> -> memref<8x2048xf32, #tpu.memory_space<vmem_shared>>
    tpu.enqueue_dma source(%dma_start3A_448 : memref<8x2048xf32, #tpu.memory_space<vmem_shared>>) target(%dma_start3A_444 : memref<8x2048xf32, #tpu.memory_space<hbm>>) target_semaphore(%arg18 : memref<!tpu.dma_semaphore, #tpu.memory_space<semaphore_mem>>)
    %dma_wait3A_449 = arith.constant 1 : i32
    %dma_wait3A_450 = arith.constant 0 : i32
    %dma_wait3A_451 = tpu.memref_slice %arg5[%multiple_of3A_273, %dma_wait3A_450] : memref<4096x2048xf32, #tpu.memory_space<hbm>> -> memref<8x2048xf32, #tpu.memory_space<hbm>>
    %dma_wait3A_452 = arith.constant 0 : i32
    %dma_wait3A_453 = arith.constant 0 : i32
    %dma_wait3A_454 = tpu.memref_slice %arg10[%arg1, %dma_wait3A_449, %dma_wait3A_452, %dma_wait3A_453] : memref<16x5x8x2048xf32, #tpu.memory_space<vmem_shared>> -> memref<1x1x8x2048xf32, #tpu.memory_space<vmem_shared>>
    %dma_wait3A_455 = tpu.memref_squeeze %dma_wait3A_454 : memref<1x1x8x2048xf32, #tpu.memory_space<vmem_shared>> -> memref<8x2048xf32, #tpu.memory_space<vmem_shared>>
    tpu.wait_dma2 semaphore(%arg19 : memref<!tpu.dma_semaphore, #tpu.memory_space<semaphore_mem>>) src(%dma_wait3A_455 : memref<8x2048xf32, #tpu.memory_space<vmem_shared>>) dst(%dma_wait3A_451 : memref<8x2048xf32, #tpu.memory_space<hbm>>)
    %get3A_456 = arith.constant 12 : i32
    %get3A_457 = arith.index_cast %get3A_456 : i32 to index
    %get3A_458 = arith.constant 0 : index
    %get3A_459 = tpu.vector_load %arg11[%get3A_457, %get3A_458] {strides = array<i32>} : memref<16x16xi32, #tpu.memory_space<vmem>>, vector<16xi32>,
    %slice3A_460 = vector.extract_strided_slice %get3A_459 {offsets = [0], sizes = [1], strides = [1]} : vector<16xi32> to vector<1xi32>
    %squeeze3A_461 = vector.extract %slice3A_460[0] : i32 from vector<1xi32>
    %multiple_of3A_462 = tpu.assume_multiple %squeeze3A_461, 8 : i32
    %dma_start3A_463 = arith.constant 1 : i32
    %dma_start3A_464 = arith.constant 0 : i32
    %dma_start3A_465 = arith.constant 0 : i32
    %dma_start3A_466 = tpu.memref_slice %arg10[%arg1, %dma_start3A_463, %dma_start3A_464, %dma_start3A_465] : memref<16x5x8x2048xf32, #tpu.memory_space<vmem_shared>> -> memref<1x1x8x2048xf32, #tpu.memory_space<vmem_shared>>
    %dma_start3A_467 = tpu.memref_squeeze %dma_start3A_466 : memref<1x1x8x2048xf32, #tpu.memory_space<vmem_shared>> -> memref<8x2048xf32, #tpu.memory_space<vmem_shared>>
    %dma_start3A_468 = arith.constant 0 : i32
    %dma_start3A_469 = tpu.memref_slice %arg2[%multiple_of3A_462, %dma_start3A_468] : memref<4096x2048xf32, #tpu.memory_space<hbm>> -> memref<8x2048xf32, #tpu.memory_space<hbm>>
    tpu.enqueue_dma source(%dma_start3A_469 : memref<8x2048xf32, #tpu.memory_space<hbm>>) target(%dma_start3A_467 : memref<8x2048xf32, #tpu.memory_space<vmem_shared>>) target_semaphore(%arg14 : memref<!tpu.dma_semaphore, #tpu.memory_space<semaphore_mem>>)
    %dma_wait3A_470 = arith.constant 1 : i32
    %dma_wait3A_471 = arith.constant 0 : i32
    %dma_wait3A_472 = arith.constant 0 : i32
    %dma_wait3A_473 = tpu.memref_slice %arg10[%arg1, %dma_wait3A_470, %dma_wait3A_471, %dma_wait3A_472] : memref<16x5x8x2048xf32, #tpu.memory_space<vmem_shared>> -> memref<1x1x8x2048xf32, #tpu.memory_space<vmem_shared>>
    %dma_wait3A_474 = tpu.memref_squeeze %dma_wait3A_473 : memref<1x1x8x2048xf32, #tpu.memory_space<vmem_shared>> -> memref<8x2048xf32, #tpu.memory_space<vmem_shared>>
    %dma_wait3A_475 = arith.constant 0 : i32
    %dma_wait3A_476 = tpu.memref_slice %arg2[%multiple_of3A_462, %dma_wait3A_475] : memref<4096x2048xf32, #tpu.memory_space<hbm>> -> memref<8x2048xf32, #tpu.memory_space<hbm>>
    tpu.wait_dma2 semaphore(%arg14 : memref<!tpu.dma_semaphore, #tpu.memory_space<semaphore_mem>>) src(%dma_wait3A_476 : memref<8x2048xf32, #tpu.memory_space<hbm>>) dst(%dma_wait3A_474 : memref<8x2048xf32, #tpu.memory_space<vmem_shared>>)
    %get3A_477 = arith.constant 12 : i32
    %get3A_478 = arith.index_cast %get3A_477 : i32 to index
    %get3A_479 = arith.constant 0 : index
    %get3A_480 = tpu.vector_load %arg11[%get3A_478, %get3A_479] {strides = array<i32>} : memref<16x16xi32, #tpu.memory_space<vmem>>, vector<16xi32>,
    %slice3A_481 = vector.extract_strided_slice %get3A_480 {offsets = [0], sizes = [1], strides = [1]} : vector<16xi32> to vector<1xi32>
    %squeeze3A_482 = vector.extract %slice3A_481[0] : i32 from vector<1xi32>
    %multiple_of3A_483 = tpu.assume_multiple %squeeze3A_482, 8 : i32
    %dma_start3A_484 = arith.constant 1 : i32
    %dma_start3A_485 = arith.constant 0 : i32
    %dma_start3A_486 = tpu.memref_slice %arg5[%multiple_of3A_483, %dma_start3A_485] : memref<4096x2048xf32, #tpu.memory_space<hbm>> -> memref<8x2048xf32, #tpu.memory_space<hbm>>
    %dma_start3A_487 = arith.constant 0 : i32
    %dma_start3A_488 = arith.constant 0 : i32
    %dma_start3A_489 = tpu.memref_slice %arg10[%arg1, %dma_start3A_484, %dma_start3A_487, %dma_start3A_488] : memref<16x5x8x2048xf32, #tpu.memory_space<vmem_shared>> -> memref<1x1x8x2048xf32, #tpu.memory_space<vmem_shared>>
    %dma_start3A_490 = tpu.memref_squeeze %dma_start3A_489 : memref<1x1x8x2048xf32, #tpu.memory_space<vmem_shared>> -> memref<8x2048xf32, #tpu.memory_space<vmem_shared>>
    tpu.enqueue_dma source(%dma_start3A_490 : memref<8x2048xf32, #tpu.memory_space<vmem_shared>>) target(%dma_start3A_486 : memref<8x2048xf32, #tpu.memory_space<hbm>>) target_semaphore(%arg19 : memref<!tpu.dma_semaphore, #tpu.memory_space<semaphore_mem>>)
    %dma_wait3A_491 = arith.constant 2 : i32
    %dma_wait3A_492 = arith.constant 0 : i32
    %dma_wait3A_493 = tpu.memref_slice %arg5[%multiple_of3A_315, %dma_wait3A_492] : memref<4096x2048xf32, #tpu.memory_space<hbm>> -> memref<8x2048xf32, #tpu.memory_space<hbm>>
    %dma_wait3A_494 = arith.constant 0 : i32
    %dma_wait3A_495 = arith.constant 0 : i32
    %dma_wait3A_496 = tpu.memref_slice %arg10[%arg1, %dma_wait3A_491, %dma_wait3A_494, %dma_wait3A_495] : memref<16x5x8x2048xf32, #tpu.memory_space<vmem_shared>> -> memref<1x1x8x2048xf32, #tpu.memory_space<vmem_shared>>
    %dma_wait3A_497 = tpu.memref_squeeze %dma_wait3A_496 : memref<1x1x8x2048xf32, #tpu.memory_space<vmem_shared>> -> memref<8x2048xf32, #tpu.memory_space<vmem_shared>>
    tpu.wait_dma2 semaphore(%arg20 : memref<!tpu.dma_semaphore, #tpu.memory_space<semaphore_mem>>) src(%dma_wait3A_497 : memref<8x2048xf32, #tpu.memory_space<vmem_shared>>) dst(%dma_wait3A_493 : memref<8x2048xf32, #tpu.memory_space<hbm>>)
    %get3A_498 = arith.constant 13 : i32
    %get3A_499 = arith.index_cast %get3A_498 : i32 to index
    %get3A_500 = arith.constant 0 : index
    %get3A_501 = tpu.vector_load %arg11[%get3A_499, %get3A_500] {strides = array<i32>} : memref<16x16xi32, #tpu.memory_space<vmem>>, vector<16xi32>,
    %slice3A_502 = vector.extract_strided_slice %get3A_501 {offsets = [0], sizes = [1], strides = [1]} : vector<16xi32> to vector<1xi32>
    %squeeze3A_503 = vector.extract %slice3A_502[0] : i32 from vector<1xi32>
    %multiple_of3A_504 = tpu.assume_multiple %squeeze3A_503, 8 : i32
    %dma_start3A_505 = arith.constant 2 : i32
    %dma_start3A_506 = arith.constant 0 : i32
    %dma_start3A_507 = arith.constant 0 : i32
    %dma_start3A_508 = tpu.memref_slice %arg10[%arg1, %dma_start3A_505, %dma_start3A_506, %dma_start3A_507] : memref<16x5x8x2048xf32, #tpu.memory_space<vmem_shared>> -> memref<1x1x8x2048xf32, #tpu.memory_space<vmem_shared>>
    %dma_start3A_509 = tpu.memref_squeeze %dma_start3A_508 : memref<1x1x8x2048xf32, #tpu.memory_space<vmem_shared>> -> memref<8x2048xf32, #tpu.memory_space<vmem_shared>>
    %dma_start3A_510 = arith.constant 0 : i32
    %dma_start3A_511 = tpu.memref_slice %arg2[%multiple_of3A_504, %dma_start3A_510] : memref<4096x2048xf32, #tpu.memory_space<hbm>> -> memref<8x2048xf32, #tpu.memory_space<hbm>>
    tpu.enqueue_dma source(%dma_start3A_511 : memref<8x2048xf32, #tpu.memory_space<hbm>>) target(%dma_start3A_509 : memref<8x2048xf32, #tpu.memory_space<vmem_shared>>) target_semaphore(%arg15 : memref<!tpu.dma_semaphore, #tpu.memory_space<semaphore_mem>>)
    %dma_wait3A_512 = arith.constant 2 : i32
    %dma_wait3A_513 = arith.constant 0 : i32
    %dma_wait3A_514 = arith.constant 0 : i32
    %dma_wait3A_515 = tpu.memref_slice %arg10[%arg1, %dma_wait3A_512, %dma_wait3A_513, %dma_wait3A_514] : memref<16x5x8x2048xf32, #tpu.memory_space<vmem_shared>> -> memref<1x1x8x2048xf32, #tpu.memory_space<vmem_shared>>
    %dma_wait3A_516 = tpu.memref_squeeze %dma_wait3A_515 : memref<1x1x8x2048xf32, #tpu.memory_space<vmem_shared>> -> memref<8x2048xf32, #tpu.memory_space<vmem_shared>>
    %dma_wait3A_517 = arith.constant 0 : i32
    %dma_wait3A_518 = tpu.memref_slice %arg2[%multiple_of3A_504, %dma_wait3A_517] : memref<4096x2048xf32, #tpu.memory_space<hbm>> -> memref<8x2048xf32, #tpu.memory_space<hbm>>
    tpu.wait_dma2 semaphore(%arg15 : memref<!tpu.dma_semaphore, #tpu.memory_space<semaphore_mem>>) src(%dma_wait3A_518 : memref<8x2048xf32, #tpu.memory_space<hbm>>) dst(%dma_wait3A_516 : memref<8x2048xf32, #tpu.memory_space<vmem_shared>>)
    %get3A_519 = arith.constant 13 : i32
    %get3A_520 = arith.index_cast %get3A_519 : i32 to index
    %get3A_521 = arith.constant 0 : index
    %get3A_522 = tpu.vector_load %arg11[%get3A_520, %get3A_521] {strides = array<i32>} : memref<16x16xi32, #tpu.memory_space<vmem>>, vector<16xi32>,
    %slice3A_523 = vector.extract_strided_slice %get3A_522 {offsets = [0], sizes = [1], strides = [1]} : vector<16xi32> to vector<1xi32>
    %squeeze3A_524 = vector.extract %slice3A_523[0] : i32 from vector<1xi32>
    %multiple_of3A_525 = tpu.assume_multiple %squeeze3A_524, 8 : i32
    %dma_start3A_526 = arith.constant 2 : i32
    %dma_start3A_527 = arith.constant 0 : i32
    %dma_start3A_528 = tpu.memref_slice %arg5[%multiple_of3A_525, %dma_start3A_527] : memref<4096x2048xf32, #tpu.memory_space<hbm>> -> memref<8x2048xf32, #tpu.memory_space<hbm>>
    %dma_start3A_529 = arith.constant 0 : i32
    %dma_start3A_530 = arith.constant 0 : i32
    %dma_start3A_531 = tpu.memref_slice %arg10[%arg1, %dma_start3A_526, %dma_start3A_529, %dma_start3A_530] : memref<16x5x8x2048xf32, #tpu.memory_space<vmem_shared>> -> memref<1x1x8x2048xf32, #tpu.memory_space<vmem_shared>>
    %dma_start3A_532 = tpu.memref_squeeze %dma_start3A_531 : memref<1x1x8x2048xf32, #tpu.memory_space<vmem_shared>> -> memref<8x2048xf32, #tpu.memory_space<vmem_shared>>
    tpu.enqueue_dma source(%dma_start3A_532 : memref<8x2048xf32, #tpu.memory_space<vmem_shared>>) target(%dma_start3A_528 : memref<8x2048xf32, #tpu.memory_space<hbm>>) target_semaphore(%arg20 : memref<!tpu.dma_semaphore, #tpu.memory_space<semaphore_mem>>)
    %dma_wait3A_533 = arith.constant 3 : i32
    %dma_wait3A_534 = arith.constant 0 : i32
    %dma_wait3A_535 = tpu.memref_slice %arg5[%multiple_of3A_357, %dma_wait3A_534] : memref<4096x2048xf32, #tpu.memory_space<hbm>> -> memref<8x2048xf32, #tpu.memory_space<hbm>>
    %dma_wait3A_536 = arith.constant 0 : i32
    %dma_wait3A_537 = arith.constant 0 : i32
    %dma_wait3A_538 = tpu.memref_slice %arg10[%arg1, %dma_wait3A_533, %dma_wait3A_536, %dma_wait3A_537] : memref<16x5x8x2048xf32, #tpu.memory_space<vmem_shared>> -> memref<1x1x8x2048xf32, #tpu.memory_space<vmem_shared>>
    %dma_wait3A_539 = tpu.memref_squeeze %dma_wait3A_538 : memref<1x1x8x2048xf32, #tpu.memory_space<vmem_shared>> -> memref<8x2048xf32, #tpu.memory_space<vmem_shared>>
    tpu.wait_dma2 semaphore(%arg21 : memref<!tpu.dma_semaphore, #tpu.memory_space<semaphore_mem>>) src(%dma_wait3A_539 : memref<8x2048xf32, #tpu.memory_space<vmem_shared>>) dst(%dma_wait3A_535 : memref<8x2048xf32, #tpu.memory_space<hbm>>)
    %get3A_540 = arith.constant 14 : i32
    %get3A_541 = arith.index_cast %get3A_540 : i32 to index
    %get3A_542 = arith.constant 0 : index
    %get3A_543 = tpu.vector_load %arg11[%get3A_541, %get3A_542] {strides = array<i32>} : memref<16x16xi32, #tpu.memory_space<vmem>>, vector<16xi32>,
    %slice3A_544 = vector.extract_strided_slice %get3A_543 {offsets = [0], sizes = [1], strides = [1]} : vector<16xi32> to vector<1xi32>
    %squeeze3A_545 = vector.extract %slice3A_544[0] : i32 from vector<1xi32>
    %multiple_of3A_546 = tpu.assume_multiple %squeeze3A_545, 8 : i32
    %dma_start3A_547 = arith.constant 3 : i32
    %dma_start3A_548 = arith.constant 0 : i32
    %dma_start3A_549 = arith.constant 0 : i32
    %dma_start3A_550 = tpu.memref_slice %arg10[%arg1, %dma_start3A_547, %dma_start3A_548, %dma_start3A_549] : memref<16x5x8x2048xf32, #tpu.memory_space<vmem_shared>> -> memref<1x1x8x2048xf32, #tpu.memory_space<vmem_shared>>
    %dma_start3A_551 = tpu.memref_squeeze %dma_start3A_550 : memref<1x1x8x2048xf32, #tpu.memory_space<vmem_shared>> -> memref<8x2048xf32, #tpu.memory_space<vmem_shared>>
    %dma_start3A_552 = arith.constant 0 : i32
    %dma_start3A_553 = tpu.memref_slice %arg2[%multiple_of3A_546, %dma_start3A_552] : memref<4096x2048xf32, #tpu.memory_space<hbm>> -> memref<8x2048xf32, #tpu.memory_space<hbm>>
    tpu.enqueue_dma source(%dma_start3A_553 : memref<8x2048xf32, #tpu.memory_space<hbm>>) target(%dma_start3A_551 : memref<8x2048xf32, #tpu.memory_space<vmem_shared>>) target_semaphore(%arg16 : memref<!tpu.dma_semaphore, #tpu.memory_space<semaphore_mem>>)
    %dma_wait3A_554 = arith.constant 3 : i32
    %dma_wait3A_555 = arith.constant 0 : i32
    %dma_wait3A_556 = arith.constant 0 : i32
    %dma_wait3A_557 = tpu.memref_slice %arg10[%arg1, %dma_wait3A_554, %dma_wait3A_555, %dma_wait3A_556] : memref<16x5x8x2048xf32, #tpu.memory_space<vmem_shared>> -> memref<1x1x8x2048xf32, #tpu.memory_space<vmem_shared>>
    %dma_wait3A_558 = tpu.memref_squeeze %dma_wait3A_557 : memref<1x1x8x2048xf32, #tpu.memory_space<vmem_shared>> -> memref<8x2048xf32, #tpu.memory_space<vmem_shared>>
    %dma_wait3A_559 = arith.constant 0 : i32
    %dma_wait3A_560 = tpu.memref_slice %arg2[%multiple_of3A_546, %dma_wait3A_559] : memref<4096x2048xf32, #tpu.memory_space<hbm>> -> memref<8x2048xf32, #tpu.memory_space<hbm>>
    tpu.wait_dma2 semaphore(%arg16 : memref<!tpu.dma_semaphore, #tpu.memory_space<semaphore_mem>>) src(%dma_wait3A_560 : memref<8x2048xf32, #tpu.memory_space<hbm>>) dst(%dma_wait3A_558 : memref<8x2048xf32, #tpu.memory_space<vmem_shared>>)
    %get3A_561 = arith.constant 14 : i32
    %get3A_562 = arith.index_cast %get3A_561 : i32 to index
    %get3A_563 = arith.constant 0 : index
    %get3A_564 = tpu.vector_load %arg11[%get3A_562, %get3A_563] {strides = array<i32>} : memref<16x16xi32, #tpu.memory_space<vmem>>, vector<16xi32>,
    %slice3A_565 = vector.extract_strided_slice %get3A_564 {offsets = [0], sizes = [1], strides = [1]} : vector<16xi32> to vector<1xi32>
    %squeeze3A_566 = vector.extract %slice3A_565[0] : i32 from vector<1xi32>
    %multiple_of3A_567 = tpu.assume_multiple %squeeze3A_566, 8 : i32
    %dma_start3A_568 = arith.constant 3 : i32
    %dma_start3A_569 = arith.constant 0 : i32
    %dma_start3A_570 = tpu.memref_slice %arg5[%multiple_of3A_567, %dma_start3A_569] : memref<4096x2048xf32, #tpu.memory_space<hbm>> -> memref<8x2048xf32, #tpu.memory_space<hbm>>
    %dma_start3A_571 = arith.constant 0 : i32
    %dma_start3A_572 = arith.constant 0 : i32
    %dma_start3A_573 = tpu.memref_slice %arg10[%arg1, %dma_start3A_568, %dma_start3A_571, %dma_start3A_572] : memref<16x5x8x2048xf32, #tpu.memory_space<vmem_shared>> -> memref<1x1x8x2048xf32, #tpu.memory_space<vmem_shared>>
    %dma_start3A_574 = tpu.memref_squeeze %dma_start3A_573 : memref<1x1x8x2048xf32, #tpu.memory_space<vmem_shared>> -> memref<8x2048xf32, #tpu.memory_space<vmem_shared>>
    tpu.enqueue_dma source(%dma_start3A_574 : memref<8x2048xf32, #tpu.memory_space<vmem_shared>>) target(%dma_start3A_570 : memref<8x2048xf32, #tpu.memory_space<hbm>>) target_semaphore(%arg21 : memref<!tpu.dma_semaphore, #tpu.memory_space<semaphore_mem>>)
    %dma_wait3A_575 = arith.constant 4 : i32
    %dma_wait3A_576 = arith.constant 0 : i32
    %dma_wait3A_577 = tpu.memref_slice %arg5[%multiple_of3A_399, %dma_wait3A_576] : memref<4096x2048xf32, #tpu.memory_space<hbm>> -> memref<8x2048xf32, #tpu.memory_space<hbm>>
    %dma_wait3A_578 = arith.constant 0 : i32
    %dma_wait3A_579 = arith.constant 0 : i32
    %dma_wait3A_580 = tpu.memref_slice %arg10[%arg1, %dma_wait3A_575, %dma_wait3A_578, %dma_wait3A_579] : memref<16x5x8x2048xf32, #tpu.memory_space<vmem_shared>> -> memref<1x1x8x2048xf32, #tpu.memory_space<vmem_shared>>
    %dma_wait3A_581 = tpu.memref_squeeze %dma_wait3A_580 : memref<1x1x8x2048xf32, #tpu.memory_space<vmem_shared>> -> memref<8x2048xf32, #tpu.memory_space<vmem_shared>>
    tpu.wait_dma2 semaphore(%arg22 : memref<!tpu.dma_semaphore, #tpu.memory_space<semaphore_mem>>) src(%dma_wait3A_581 : memref<8x2048xf32, #tpu.memory_space<vmem_shared>>) dst(%dma_wait3A_577 : memref<8x2048xf32, #tpu.memory_space<hbm>>)
    %get3A_582 = arith.constant 15 : i32
    %get3A_583 = arith.index_cast %get3A_582 : i32 to index
    %get3A_584 = arith.constant 0 : index
    %get3A_585 = tpu.vector_load %arg11[%get3A_583, %get3A_584] {strides = array<i32>} : memref<16x16xi32, #tpu.memory_space<vmem>>, vector<16xi32>,
    %slice3A_586 = vector.extract_strided_slice %get3A_585 {offsets = [0], sizes = [1], strides = [1]} : vector<16xi32> to vector<1xi32>
    %squeeze3A_587 = vector.extract %slice3A_586[0] : i32 from vector<1xi32>
    %multiple_of3A_588 = tpu.assume_multiple %squeeze3A_587, 8 : i32
    %dma_start3A_589 = arith.constant 4 : i32
    %dma_start3A_590 = arith.constant 0 : i32
    %dma_start3A_591 = arith.constant 0 : i32
    %dma_start3A_592 = tpu.memref_slice %arg10[%arg1, %dma_start3A_589, %dma_start3A_590, %dma_start3A_591] : memref<16x5x8x2048xf32, #tpu.memory_space<vmem_shared>> -> memref<1x1x8x2048xf32, #tpu.memory_space<vmem_shared>>
    %dma_start3A_593 = tpu.memref_squeeze %dma_start3A_592 : memref<1x1x8x2048xf32, #tpu.memory_space<vmem_shared>> -> memref<8x2048xf32, #tpu.memory_space<vmem_shared>>
    %dma_start3A_594 = arith.constant 0 : i32
    %dma_start3A_595 = tpu.memref_slice %arg2[%multiple_of3A_588, %dma_start3A_594] : memref<4096x2048xf32, #tpu.memory_space<hbm>> -> memref<8x2048xf32, #tpu.memory_space<hbm>>
    tpu.enqueue_dma source(%dma_start3A_595 : memref<8x2048xf32, #tpu.memory_space<hbm>>) target(%dma_start3A_593 : memref<8x2048xf32, #tpu.memory_space<vmem_shared>>) target_semaphore(%arg17 : memref<!tpu.dma_semaphore, #tpu.memory_space<semaphore_mem>>)
    %dma_wait3A_596 = arith.constant 4 : i32
    %dma_wait3A_597 = arith.constant 0 : i32
    %dma_wait3A_598 = arith.constant 0 : i32
    %dma_wait3A_599 = tpu.memref_slice %arg10[%arg1, %dma_wait3A_596, %dma_wait3A_597, %dma_wait3A_598] : memref<16x5x8x2048xf32, #tpu.memory_space<vmem_shared>> -> memref<1x1x8x2048xf32, #tpu.memory_space<vmem_shared>>
    %dma_wait3A_600 = tpu.memref_squeeze %dma_wait3A_599 : memref<1x1x8x2048xf32, #tpu.memory_space<vmem_shared>> -> memref<8x2048xf32, #tpu.memory_space<vmem_shared>>
    %dma_wait3A_601 = arith.constant 0 : i32
    %dma_wait3A_602 = tpu.memref_slice %arg2[%multiple_of3A_588, %dma_wait3A_601] : memref<4096x2048xf32, #tpu.memory_space<hbm>> -> memref<8x2048xf32, #tpu.memory_space<hbm>>
    tpu.wait_dma2 semaphore(%arg17 : memref<!tpu.dma_semaphore, #tpu.memory_space<semaphore_mem>>) src(%dma_wait3A_602 : memref<8x2048xf32, #tpu.memory_space<hbm>>) dst(%dma_wait3A_600 : memref<8x2048xf32, #tpu.memory_space<vmem_shared>>)
    %get3A_603 = arith.constant 15 : i32
    %get3A_604 = arith.index_cast %get3A_603 : i32 to index
    %get3A_605 = arith.constant 0 : index
    %get3A_606 = tpu.vector_load %arg11[%get3A_604, %get3A_605] {strides = array<i32>} : memref<16x16xi32, #tpu.memory_space<vmem>>, vector<16xi32>,
    %slice3A_607 = vector.extract_strided_slice %get3A_606 {offsets = [0], sizes = [1], strides = [1]} : vector<16xi32> to vector<1xi32>
    %squeeze3A_608 = vector.extract %slice3A_607[0] : i32 from vector<1xi32>
    %multiple_of3A_609 = tpu.assume_multiple %squeeze3A_608, 8 : i32
    %dma_start3A_610 = arith.constant 4 : i32
    %dma_start3A_611 = arith.constant 0 : i32
    %dma_start3A_612 = tpu.memref_slice %arg5[%multiple_of3A_609, %dma_start3A_611] : memref<4096x2048xf32, #tpu.memory_space<hbm>> -> memref<8x2048xf32, #tpu.memory_space<hbm>>
    %dma_start3A_613 = arith.constant 0 : i32
    %dma_start3A_614 = arith.constant 0 : i32
    %dma_start3A_615 = tpu.memref_slice %arg10[%arg1, %dma_start3A_610, %dma_start3A_613, %dma_start3A_614] : memref<16x5x8x2048xf32, #tpu.memory_space<vmem_shared>> -> memref<1x1x8x2048xf32, #tpu.memory_space<vmem_shared>>
    %dma_start3A_616 = tpu.memref_squeeze %dma_start3A_615 : memref<1x1x8x2048xf32, #tpu.memory_space<vmem_shared>> -> memref<8x2048xf32, #tpu.memory_space<vmem_shared>>
    tpu.enqueue_dma source(%dma_start3A_616 : memref<8x2048xf32, #tpu.memory_space<vmem_shared>>) target(%dma_start3A_612 : memref<8x2048xf32, #tpu.memory_space<hbm>>) target_semaphore(%arg22 : memref<!tpu.dma_semaphore, #tpu.memory_space<semaphore_mem>>)
    %dma_wait3A_617 = arith.constant 0 : i32
    %dma_wait3A_618 = arith.constant 0 : i32
    %dma_wait3A_619 = tpu.memref_slice %arg5[%multiple_of3A_441, %dma_wait3A_618] : memref<4096x2048xf32, #tpu.memory_space<hbm>> -> memref<8x2048xf32, #tpu.memory_space<hbm>>
    %dma_wait3A_620 = arith.constant 0 : i32
    %dma_wait3A_621 = arith.constant 0 : i32
    %dma_wait3A_622 = tpu.memref_slice %arg10[%arg1, %dma_wait3A_617, %dma_wait3A_620, %dma_wait3A_621] : memref<16x5x8x2048xf32, #tpu.memory_space<vmem_shared>> -> memref<1x1x8x2048xf32, #tpu.memory_space<vmem_shared>>
    %dma_wait3A_623 = tpu.memref_squeeze %dma_wait3A_622 : memref<1x1x8x2048xf32, #tpu.memory_space<vmem_shared>> -> memref<8x2048xf32, #tpu.memory_space<vmem_shared>>
    tpu.wait_dma2 semaphore(%arg18 : memref<!tpu.dma_semaphore, #tpu.memory_space<semaphore_mem>>) src(%dma_wait3A_623 : memref<8x2048xf32, #tpu.memory_space<vmem_shared>>) dst(%dma_wait3A_619 : memref<8x2048xf32, #tpu.memory_space<hbm>>)
    %get3A_624 = arith.constant 0 : i32
    %get3A_625 = arith.index_cast %get3A_624 : i32 to index
    %get3A_626 = arith.constant 0 : index
    %get3A_627 = tpu.vector_load %arg11[%get3A_625, %get3A_626] {strides = array<i32>} : memref<16x16xi32, #tpu.memory_space<vmem>>, vector<16xi32>,
    %slice3A_628 = vector.extract_strided_slice %get3A_627 {offsets = [0], sizes = [1], strides = [1]} : vector<16xi32> to vector<1xi32>
    %squeeze3A_629 = vector.extract %slice3A_628[0] : i32 from vector<1xi32>
    %multiple_of3A_630 = tpu.assume_multiple %squeeze3A_629, 8 : i32
    %dma_wait3A_631 = arith.constant 0 : i32
    %dma_wait3A_632 = tpu.memref_slice %arg3[%squeeze3A_5, %dma_wait3A_631] : memref<16x2048xi32, #tpu.memory_space<hbm>> -> memref<1x2048xi32, #tpu.memory_space<hbm>>
    %dma_wait3A_633 = tpu.memref_squeeze %dma_wait3A_632 : memref<1x2048xi32, #tpu.memory_space<hbm>> -> memref<2048xi32, #tpu.memory_space<hbm>>
    %dma_wait3A_634 = arith.constant 0 : i32
    %dma_wait3A_635 = tpu.memref_slice %arg3[%squeeze3A_5, %dma_wait3A_634] : memref<16x2048xi32, #tpu.memory_space<hbm>> -> memref<1x2048xi32, #tpu.memory_space<hbm>>
    %dma_wait3A_636 = tpu.memref_squeeze %dma_wait3A_635 : memref<1x2048xi32, #tpu.memory_space<hbm>> -> memref<2048xi32, #tpu.memory_space<hbm>>
    tpu.wait_dma2 semaphore(%arg12 : memref<!tpu.dma_semaphore, #tpu.memory_space<semaphore_mem>>) src(%dma_wait3A_636 : memref<2048xi32, #tpu.memory_space<hbm>>) dst(%arg6 : memref<2048xi32, #tpu.memory_space<vmem>>)
    %dma_wait3A_637 = arith.constant 0 : i32
    %dma_wait3A_638 = tpu.memref_slice %arg3[%squeeze3A_12, %dma_wait3A_637] : memref<16x2048xi32, #tpu.memory_space<hbm>> -> memref<1x2048xi32, #tpu.memory_space<hbm>>
    %dma_wait3A_639 = tpu.memref_squeeze %dma_wait3A_638 : memref<1x2048xi32, #tpu.memory_space<hbm>> -> memref<2048xi32, #tpu.memory_space<hbm>>
    %dma_wait3A_640 = arith.constant 0 : i32
    %dma_wait3A_641 = tpu.memref_slice %arg3[%squeeze3A_12, %dma_wait3A_640] : memref<16x2048xi32, #tpu.memory_space<hbm>> -> memref<1x2048xi32, #tpu.memory_space<hbm>>
    %dma_wait3A_642 = tpu.memref_squeeze %dma_wait3A_641 : memref<1x2048xi32, #tpu.memory_space<hbm>> -> memref<2048xi32, #tpu.memory_space<hbm>>
    tpu.wait_dma2 semaphore(%arg12 : memref<!tpu.dma_semaphore, #tpu.memory_space<semaphore_mem>>) src(%dma_wait3A_642 : memref<2048xi32, #tpu.memory_space<hbm>>) dst(%arg7 : memref<2048xi32, #tpu.memory_space<vmem>>)
    %dma_wait3A_643 = arith.constant 0 : i32
    %dma_wait3A_644 = tpu.memref_slice %arg2[%multiple_of3A, %dma_wait3A_643] : memref<4096x2048xf32, #tpu.memory_space<hbm>> -> memref<8x2048xf32, #tpu.memory_space<hbm>>
    %dma_wait3A_645 = arith.constant 0 : i32
    %dma_wait3A_646 = tpu.memref_slice %arg2[%multiple_of3A, %dma_wait3A_645] : memref<4096x2048xf32, #tpu.memory_space<hbm>> -> memref<8x2048xf32, #tpu.memory_space<hbm>>
    tpu.wait_dma2 semaphore(%arg12 : memref<!tpu.dma_semaphore, #tpu.memory_space<semaphore_mem>>) src(%dma_wait3A_646 : memref<8x2048xf32, #tpu.memory_space<hbm>>) dst(%arg8 : memref<8x2048xf32, #tpu.memory_space<vmem>>)
    %scan3A = arith.constant 0 : i32
    %scan3A_647 = arith.constant 0 : i32
    %scan3A_648 = arith.constant 128 : i32
    %scan3A_649 = arith.addi %scan3A_647, %scan3A_648 : i32
    %scan3A_650 = arith.constant 1 : i32
    scf.for %scan3A_722 = %scan3A_647 to %scan3A_649 step %scan3A_650  : i32 {
      %mul3A_723 = arith.constant 16 : i32
      %mul3A_724 = arith.muli %scan3A_722, %mul3A_723 : i32
      %get3A_725 = arith.index_cast %mul3A_724 : i32 to index
      %get3A_726 = tpu.vector_load %arg6[%get3A_725] {strides = array<i32>} : memref<2048xi32, #tpu.memory_space<vmem>>, vector<16xi32>,
      %broadcast_in_dim3A = arith.constant 0 : i32
      %broadcast_in_dim3A_727 = vector.broadcast %broadcast_in_dim3A : i32 to vector<16xi32>
      %gather3A = tpu.vector_load_idx %arg8[%broadcast_in_dim3A_727, %get3A_726] : memref<8x2048xf32, #tpu.memory_space<vmem>>[vector<16xi32>, vector<16xi32>], vector<16xf32>,
      %get3A_728 = arith.index_cast %mul3A_724 : i32 to index
      %get3A_729 = tpu.vector_load %arg7[%get3A_728] {strides = array<i32>} : memref<2048xi32, #tpu.memory_space<vmem>>, vector<16xi32>,
      %bitcast3A = vector.bitcast %get3A_729 : vector<16xi32> to vector<16xf32>
      %mul3A_730 = arith.mulf %gather3A, %bitcast3A : vector<16xf32>
      %swap3A = arith.constant 0 : i32
      %swap3A_731 = arith.index_cast %swap3A : i32 to index
      %swap3A_732 = arith.index_cast %mul3A_724 : i32 to index
      %swap3A_733 = tpu.vector_load %arg9[%swap3A_731, %swap3A_732] {strides = array<i32>} : memref<8x2048xf32, #tpu.memory_space<vmem>>, vector<16xf32>,
      tpu.vector_store %arg9[%swap3A_731, %swap3A_732], %mul3A_730 {strides = array<i32>} : memref<8x2048xf32, #tpu.memory_space<vmem>>, vector<16xf32>,
    }
    %scan3A_651 = arith.constant 128 : i32
    %scan3A_652 = arith.constant 0 : i32
    %scan3A_653 = arith.constant 0 : i32
    %scan3A_654 = arith.constant 128 : i32
    %scan3A_655 = arith.addi %scan3A_653, %scan3A_654 : i32
    %scan3A_656 = arith.constant 1 : i32
    scf.for %scan3A_722 = %scan3A_653 to %scan3A_655 step %scan3A_656  : i32 {
      %mul3A_723 = arith.constant 16 : i32
      %mul3A_724 = arith.muli %scan3A_722, %mul3A_723 : i32
      %get3A_725 = arith.index_cast %mul3A_724 : i32 to index
      %get3A_726 = tpu.vector_load %arg6[%get3A_725] {strides = array<i32>} : memref<2048xi32, #tpu.memory_space<vmem>>, vector<16xi32>,
      %broadcast_in_dim3A = arith.constant 1 : i32
      %broadcast_in_dim3A_727 = vector.broadcast %broadcast_in_dim3A : i32 to vector<16xi32>
      %gather3A = tpu.vector_load_idx %arg8[%broadcast_in_dim3A_727, %get3A_726] : memref<8x2048xf32, #tpu.memory_space<vmem>>[vector<16xi32>, vector<16xi32>], vector<16xf32>,
      %get3A_728 = arith.index_cast %mul3A_724 : i32 to index
      %get3A_729 = tpu.vector_load %arg7[%get3A_728] {strides = array<i32>} : memref<2048xi32, #tpu.memory_space<vmem>>, vector<16xi32>,
      %bitcast3A = vector.bitcast %get3A_729 : vector<16xi32> to vector<16xf32>
      %mul3A_730 = arith.mulf %gather3A, %bitcast3A : vector<16xf32>
      %swap3A = arith.constant 1 : i32
      %swap3A_731 = arith.index_cast %swap3A : i32 to index
      %swap3A_732 = arith.index_cast %mul3A_724 : i32 to index
      %swap3A_733 = tpu.vector_load %arg9[%swap3A_731, %swap3A_732] {strides = array<i32>} : memref<8x2048xf32, #tpu.memory_space<vmem>>, vector<16xf32>,
      tpu.vector_store %arg9[%swap3A_731, %swap3A_732], %mul3A_730 {strides = array<i32>} : memref<8x2048xf32, #tpu.memory_space<vmem>>, vector<16xf32>,
    }
    %scan3A_657 = arith.constant 128 : i32
    %scan3A_658 = arith.constant 0 : i32
    %scan3A_659 = arith.constant 0 : i32
    %scan3A_660 = arith.constant 128 : i32
    %scan3A_661 = arith.addi %scan3A_659, %scan3A_660 : i32
    %scan3A_662 = arith.constant 1 : i32
    scf.for %scan3A_722 = %scan3A_659 to %scan3A_661 step %scan3A_662  : i32 {
      %mul3A_723 = arith.constant 16 : i32
      %mul3A_724 = arith.muli %scan3A_722, %mul3A_723 : i32
      %get3A_725 = arith.index_cast %mul3A_724 : i32 to index
      %get3A_726 = tpu.vector_load %arg6[%get3A_725] {strides = array<i32>} : memref<2048xi32, #tpu.memory_space<vmem>>, vector<16xi32>,
      %broadcast_in_dim3A = arith.constant 2 : i32
      %broadcast_in_dim3A_727 = vector.broadcast %broadcast_in_dim3A : i32 to vector<16xi32>
      %gather3A = tpu.vector_load_idx %arg8[%broadcast_in_dim3A_727, %get3A_726] : memref<8x2048xf32, #tpu.memory_space<vmem>>[vector<16xi32>, vector<16xi32>], vector<16xf32>,
      %get3A_728 = arith.index_cast %mul3A_724 : i32 to index
      %get3A_729 = tpu.vector_load %arg7[%get3A_728] {strides = array<i32>} : memref<2048xi32, #tpu.memory_space<vmem>>, vector<16xi32>,
      %bitcast3A = vector.bitcast %get3A_729 : vector<16xi32> to vector<16xf32>
      %mul3A_730 = arith.mulf %gather3A, %bitcast3A : vector<16xf32>
      %swap3A = arith.constant 2 : i32
      %swap3A_731 = arith.index_cast %swap3A : i32 to index
      %swap3A_732 = arith.index_cast %mul3A_724 : i32 to index
      %swap3A_733 = tpu.vector_load %arg9[%swap3A_731, %swap3A_732] {strides = array<i32>} : memref<8x2048xf32, #tpu.memory_space<vmem>>, vector<16xf32>,
      tpu.vector_store %arg9[%swap3A_731, %swap3A_732], %mul3A_730 {strides = array<i32>} : memref<8x2048xf32, #tpu.memory_space<vmem>>, vector<16xf32>,
    }
    %scan3A_663 = arith.constant 128 : i32
    %scan3A_664 = arith.constant 0 : i32
    %scan3A_665 = arith.constant 0 : i32
    %scan3A_666 = arith.constant 128 : i32
    %scan3A_667 = arith.addi %scan3A_665, %scan3A_666 : i32
    %scan3A_668 = arith.constant 1 : i32
    scf.for %scan3A_722 = %scan3A_665 to %scan3A_667 step %scan3A_668  : i32 {
      %mul3A_723 = arith.constant 16 : i32
      %mul3A_724 = arith.muli %scan3A_722, %mul3A_723 : i32
      %get3A_725 = arith.index_cast %mul3A_724 : i32 to index
      %get3A_726 = tpu.vector_load %arg6[%get3A_725] {strides = array<i32>} : memref<2048xi32, #tpu.memory_space<vmem>>, vector<16xi32>,
      %broadcast_in_dim3A = arith.constant 3 : i32
      %broadcast_in_dim3A_727 = vector.broadcast %broadcast_in_dim3A : i32 to vector<16xi32>
      %gather3A = tpu.vector_load_idx %arg8[%broadcast_in_dim3A_727, %get3A_726] : memref<8x2048xf32, #tpu.memory_space<vmem>>[vector<16xi32>, vector<16xi32>], vector<16xf32>,
      %get3A_728 = arith.index_cast %mul3A_724 : i32 to index
      %get3A_729 = tpu.vector_load %arg7[%get3A_728] {strides = array<i32>} : memref<2048xi32, #tpu.memory_space<vmem>>, vector<16xi32>,
      %bitcast3A = vector.bitcast %get3A_729 : vector<16xi32> to vector<16xf32>
      %mul3A_730 = arith.mulf %gather3A, %bitcast3A : vector<16xf32>
      %swap3A = arith.constant 3 : i32
      %swap3A_731 = arith.index_cast %swap3A : i32 to index
      %swap3A_732 = arith.index_cast %mul3A_724 : i32 to index
      %swap3A_733 = tpu.vector_load %arg9[%swap3A_731, %swap3A_732] {strides = array<i32>} : memref<8x2048xf32, #tpu.memory_space<vmem>>, vector<16xf32>,
      tpu.vector_store %arg9[%swap3A_731, %swap3A_732], %mul3A_730 {strides = array<i32>} : memref<8x2048xf32, #tpu.memory_space<vmem>>, vector<16xf32>,
    }
    %scan3A_669 = arith.constant 128 : i32
    %scan3A_670 = arith.constant 0 : i32
    %scan3A_671 = arith.constant 0 : i32
    %scan3A_672 = arith.constant 128 : i32
    %scan3A_673 = arith.addi %scan3A_671, %scan3A_672 : i32
    %scan3A_674 = arith.constant 1 : i32
    scf.for %scan3A_722 = %scan3A_671 to %scan3A_673 step %scan3A_674  : i32 {
      %mul3A_723 = arith.constant 16 : i32
      %mul3A_724 = arith.muli %scan3A_722, %mul3A_723 : i32
      %get3A_725 = arith.index_cast %mul3A_724 : i32 to index
      %get3A_726 = tpu.vector_load %arg6[%get3A_725] {strides = array<i32>} : memref<2048xi32, #tpu.memory_space<vmem>>, vector<16xi32>,
      %broadcast_in_dim3A = arith.constant 4 : i32
      %broadcast_in_dim3A_727 = vector.broadcast %broadcast_in_dim3A : i32 to vector<16xi32>
      %gather3A = tpu.vector_load_idx %arg8[%broadcast_in_dim3A_727, %get3A_726] : memref<8x2048xf32, #tpu.memory_space<vmem>>[vector<16xi32>, vector<16xi32>], vector<16xf32>,
      %get3A_728 = arith.index_cast %mul3A_724 : i32 to index
      %get3A_729 = tpu.vector_load %arg7[%get3A_728] {strides = array<i32>} : memref<2048xi32, #tpu.memory_space<vmem>>, vector<16xi32>,
      %bitcast3A = vector.bitcast %get3A_729 : vector<16xi32> to vector<16xf32>
      %mul3A_730 = arith.mulf %gather3A, %bitcast3A : vector<16xf32>
      %swap3A = arith.constant 4 : i32
      %swap3A_731 = arith.index_cast %swap3A : i32 to index
      %swap3A_732 = arith.index_cast %mul3A_724 : i32 to index
      %swap3A_733 = tpu.vector_load %arg9[%swap3A_731, %swap3A_732] {strides = array<i32>} : memref<8x2048xf32, #tpu.memory_space<vmem>>, vector<16xf32>,
      tpu.vector_store %arg9[%swap3A_731, %swap3A_732], %mul3A_730 {strides = array<i32>} : memref<8x2048xf32, #tpu.memory_space<vmem>>, vector<16xf32>,
    }
    %scan3A_675 = arith.constant 128 : i32
    %scan3A_676 = arith.constant 0 : i32
    %scan3A_677 = arith.constant 0 : i32
    %scan3A_678 = arith.constant 128 : i32
    %scan3A_679 = arith.addi %scan3A_677, %scan3A_678 : i32
    %scan3A_680 = arith.constant 1 : i32
    scf.for %scan3A_722 = %scan3A_677 to %scan3A_679 step %scan3A_680  : i32 {
      %mul3A_723 = arith.constant 16 : i32
      %mul3A_724 = arith.muli %scan3A_722, %mul3A_723 : i32
      %get3A_725 = arith.index_cast %mul3A_724 : i32 to index
      %get3A_726 = tpu.vector_load %arg6[%get3A_725] {strides = array<i32>} : memref<2048xi32, #tpu.memory_space<vmem>>, vector<16xi32>,
      %broadcast_in_dim3A = arith.constant 5 : i32
      %broadcast_in_dim3A_727 = vector.broadcast %broadcast_in_dim3A : i32 to vector<16xi32>
      %gather3A = tpu.vector_load_idx %arg8[%broadcast_in_dim3A_727, %get3A_726] : memref<8x2048xf32, #tpu.memory_space<vmem>>[vector<16xi32>, vector<16xi32>], vector<16xf32>,
      %get3A_728 = arith.index_cast %mul3A_724 : i32 to index
      %get3A_729 = tpu.vector_load %arg7[%get3A_728] {strides = array<i32>} : memref<2048xi32, #tpu.memory_space<vmem>>, vector<16xi32>,
      %bitcast3A = vector.bitcast %get3A_729 : vector<16xi32> to vector<16xf32>
      %mul3A_730 = arith.mulf %gather3A, %bitcast3A : vector<16xf32>
      %swap3A = arith.constant 5 : i32
      %swap3A_731 = arith.index_cast %swap3A : i32 to index
      %swap3A_732 = arith.index_cast %mul3A_724 : i32 to index
      %swap3A_733 = tpu.vector_load %arg9[%swap3A_731, %swap3A_732] {strides = array<i32>} : memref<8x2048xf32, #tpu.memory_space<vmem>>, vector<16xf32>,
      tpu.vector_store %arg9[%swap3A_731, %swap3A_732], %mul3A_730 {strides = array<i32>} : memref<8x2048xf32, #tpu.memory_space<vmem>>, vector<16xf32>,
    }
    %scan3A_681 = arith.constant 128 : i32
    %scan3A_682 = arith.constant 0 : i32
    %scan3A_683 = arith.constant 0 : i32
    %scan3A_684 = arith.constant 128 : i32
    %scan3A_685 = arith.addi %scan3A_683, %scan3A_684 : i32
    %scan3A_686 = arith.constant 1 : i32
    scf.for %scan3A_722 = %scan3A_683 to %scan3A_685 step %scan3A_686  : i32 {
      %mul3A_723 = arith.constant 16 : i32
      %mul3A_724 = arith.muli %scan3A_722, %mul3A_723 : i32
      %get3A_725 = arith.index_cast %mul3A_724 : i32 to index
      %get3A_726 = tpu.vector_load %arg6[%get3A_725] {strides = array<i32>} : memref<2048xi32, #tpu.memory_space<vmem>>, vector<16xi32>,
      %broadcast_in_dim3A = arith.constant 6 : i32
      %broadcast_in_dim3A_727 = vector.broadcast %broadcast_in_dim3A : i32 to vector<16xi32>
      %gather3A = tpu.vector_load_idx %arg8[%broadcast_in_dim3A_727, %get3A_726] : memref<8x2048xf32, #tpu.memory_space<vmem>>[vector<16xi32>, vector<16xi32>], vector<16xf32>,
      %get3A_728 = arith.index_cast %mul3A_724 : i32 to index
      %get3A_729 = tpu.vector_load %arg7[%get3A_728] {strides = array<i32>} : memref<2048xi32, #tpu.memory_space<vmem>>, vector<16xi32>,
      %bitcast3A = vector.bitcast %get3A_729 : vector<16xi32> to vector<16xf32>
      %mul3A_730 = arith.mulf %gather3A, %bitcast3A : vector<16xf32>
      %swap3A = arith.constant 6 : i32
      %swap3A_731 = arith.index_cast %swap3A : i32 to index
      %swap3A_732 = arith.index_cast %mul3A_724 : i32 to index
      %swap3A_733 = tpu.vector_load %arg9[%swap3A_731, %swap3A_732] {strides = array<i32>} : memref<8x2048xf32, #tpu.memory_space<vmem>>, vector<16xf32>,
      tpu.vector_store %arg9[%swap3A_731, %swap3A_732], %mul3A_730 {strides = array<i32>} : memref<8x2048xf32, #tpu.memory_space<vmem>>, vector<16xf32>,
    }
    %scan3A_687 = arith.constant 128 : i32
    %scan3A_688 = arith.constant 0 : i32
    %scan3A_689 = arith.constant 0 : i32
    %scan3A_690 = arith.constant 128 : i32
    %scan3A_691 = arith.addi %scan3A_689, %scan3A_690 : i32
    %scan3A_692 = arith.constant 1 : i32
    scf.for %scan3A_722 = %scan3A_689 to %scan3A_691 step %scan3A_692  : i32 {
      %mul3A_723 = arith.constant 16 : i32
      %mul3A_724 = arith.muli %scan3A_722, %mul3A_723 : i32
      %get3A_725 = arith.index_cast %mul3A_724 : i32 to index
      %get3A_726 = tpu.vector_load %arg6[%get3A_725] {strides = array<i32>} : memref<2048xi32, #tpu.memory_space<vmem>>, vector<16xi32>,
      %broadcast_in_dim3A = arith.constant 7 : i32
      %broadcast_in_dim3A_727 = vector.broadcast %broadcast_in_dim3A : i32 to vector<16xi32>
      %gather3A = tpu.vector_load_idx %arg8[%broadcast_in_dim3A_727, %get3A_726] : memref<8x2048xf32, #tpu.memory_space<vmem>>[vector<16xi32>, vector<16xi32>], vector<16xf32>,
      %get3A_728 = arith.index_cast %mul3A_724 : i32 to index
      %get3A_729 = tpu.vector_load %arg7[%get3A_728] {strides = array<i32>} : memref<2048xi32, #tpu.memory_space<vmem>>, vector<16xi32>,
      %bitcast3A = vector.bitcast %get3A_729 : vector<16xi32> to vector<16xf32>
      %mul3A_730 = arith.mulf %gather3A, %bitcast3A : vector<16xf32>
      %swap3A = arith.constant 7 : i32
      %swap3A_731 = arith.index_cast %swap3A : i32 to index
      %swap3A_732 = arith.index_cast %mul3A_724 : i32 to index
      %swap3A_733 = tpu.vector_load %arg9[%swap3A_731, %swap3A_732] {strides = array<i32>} : memref<8x2048xf32, #tpu.memory_space<vmem>>, vector<16xf32>,
      tpu.vector_store %arg9[%swap3A_731, %swap3A_732], %mul3A_730 {strides = array<i32>} : memref<8x2048xf32, #tpu.memory_space<vmem>>, vector<16xf32>,
    }
    %scan3A_693 = arith.constant 128 : i32
    "tpu.region"() ({
      %run_scoped3A = tpu.sem_alloc : memref<!tpu.dma_semaphore, #tpu.memory_space<semaphore_mem>>
      %dma_start3A_722 = arith.constant 0 : i32
      %dma_start3A_723 = tpu.memref_slice %arg5[%multiple_of3A_630, %dma_start3A_722] : memref<4096x2048xf32, #tpu.memory_space<hbm>> -> memref<8x2048xf32, #tpu.memory_space<hbm>>
      %dma_start3A_724 = arith.constant 0 : i32
      %dma_start3A_725 = tpu.memref_slice %arg5[%multiple_of3A_630, %dma_start3A_724] : memref<4096x2048xf32, #tpu.memory_space<hbm>> -> memref<8x2048xf32, #tpu.memory_space<hbm>>
      tpu.enqueue_dma source(%arg9 : memref<8x2048xf32, #tpu.memory_space<vmem>>) target(%dma_start3A_725 : memref<8x2048xf32, #tpu.memory_space<hbm>>) target_semaphore(%run_scoped3A : memref<!tpu.dma_semaphore, #tpu.memory_space<semaphore_mem>>)
      %dma_wait3A_726 = arith.constant 0 : i32
      %dma_wait3A_727 = tpu.memref_slice %arg5[%multiple_of3A_630, %dma_wait3A_726] : memref<4096x2048xf32, #tpu.memory_space<hbm>> -> memref<8x2048xf32, #tpu.memory_space<hbm>>
      %dma_wait3A_728 = arith.constant 0 : i32
      %dma_wait3A_729 = tpu.memref_slice %arg5[%multiple_of3A_630, %dma_wait3A_728] : memref<4096x2048xf32, #tpu.memory_space<hbm>> -> memref<8x2048xf32, #tpu.memory_space<hbm>>
      tpu.wait_dma2 semaphore(%run_scoped3A : memref<!tpu.dma_semaphore, #tpu.memory_space<semaphore_mem>>) src(%arg9 : memref<8x2048xf32, #tpu.memory_space<vmem>>) dst(%dma_wait3A_729 : memref<8x2048xf32, #tpu.memory_space<hbm>>)
      tpu.yield
    }) : () -> ()
    %dma_wait3A_694 = arith.constant 1 : i32
    %dma_wait3A_695 = arith.constant 0 : i32
    %dma_wait3A_696 = tpu.memref_slice %arg5[%multiple_of3A_483, %dma_wait3A_695] : memref<4096x2048xf32, #tpu.memory_space<hbm>> -> memref<8x2048xf32, #tpu.memory_space<hbm>>
    %dma_wait3A_697 = arith.constant 0 : i32
    %dma_wait3A_698 = arith.constant 0 : i32
    %dma_wait3A_699 = tpu.memref_slice %arg10[%arg1, %dma_wait3A_694, %dma_wait3A_697, %dma_wait3A_698] : memref<16x5x8x2048xf32, #tpu.memory_space<vmem_shared>> -> memref<1x1x8x2048xf32, #tpu.memory_space<vmem_shared>>
    %dma_wait3A_700 = tpu.memref_squeeze %dma_wait3A_699 : memref<1x1x8x2048xf32, #tpu.memory_space<vmem_shared>> -> memref<8x2048xf32, #tpu.memory_space<vmem_shared>>
    tpu.wait_dma2 semaphore(%arg19 : memref<!tpu.dma_semaphore, #tpu.memory_space<semaphore_mem>>) src(%dma_wait3A_700 : memref<8x2048xf32, #tpu.memory_space<vmem_shared>>) dst(%dma_wait3A_696 : memref<8x2048xf32, #tpu.memory_space<hbm>>)
    %dma_wait3A_701 = arith.constant 2 : i32
    %dma_wait3A_702 = arith.constant 0 : i32
    %dma_wait3A_703 = tpu.memref_slice %arg5[%multiple_of3A_525, %dma_wait3A_702] : memref<4096x2048xf32, #tpu.memory_space<hbm>> -> memref<8x2048xf32, #tpu.memory_space<hbm>>
    %dma_wait3A_704 = arith.constant 0 : i32
    %dma_wait3A_705 = arith.constant 0 : i32
    %dma_wait3A_706 = tpu.memref_slice %arg10[%arg1, %dma_wait3A_701, %dma_wait3A_704, %dma_wait3A_705] : memref<16x5x8x2048xf32, #tpu.memory_space<vmem_shared>> -> memref<1x1x8x2048xf32, #tpu.memory_space<vmem_shared>>
    %dma_wait3A_707 = tpu.memref_squeeze %dma_wait3A_706 : memref<1x1x8x2048xf32, #tpu.memory_space<vmem_shared>> -> memref<8x2048xf32, #tpu.memory_space<vmem_shared>>
    tpu.wait_dma2 semaphore(%arg20 : memref<!tpu.dma_semaphore, #tpu.memory_space<semaphore_mem>>) src(%dma_wait3A_707 : memref<8x2048xf32, #tpu.memory_space<vmem_shared>>) dst(%dma_wait3A_703 : memref<8x2048xf32, #tpu.memory_space<hbm>>)
    %dma_wait3A_708 = arith.constant 3 : i32
    %dma_wait3A_709 = arith.constant 0 : i32
    %dma_wait3A_710 = tpu.memref_slice %arg5[%multiple_of3A_567, %dma_wait3A_709] : memref<4096x2048xf32, #tpu.memory_space<hbm>> -> memref<8x2048xf32, #tpu.memory_space<hbm>>
    %dma_wait3A_711 = arith.constant 0 : i32
    %dma_wait3A_712 = arith.constant 0 : i32
    %dma_wait3A_713 = tpu.memref_slice %arg10[%arg1, %dma_wait3A_708, %dma_wait3A_711, %dma_wait3A_712] : memref<16x5x8x2048xf32, #tpu.memory_space<vmem_shared>> -> memref<1x1x8x2048xf32, #tpu.memory_space<vmem_shared>>
    %dma_wait3A_714 = tpu.memref_squeeze %dma_wait3A_713 : memref<1x1x8x2048xf32, #tpu.memory_space<vmem_shared>> -> memref<8x2048xf32, #tpu.memory_space<vmem_shared>>
    tpu.wait_dma2 semaphore(%arg21 : memref<!tpu.dma_semaphore, #tpu.memory_space<semaphore_mem>>) src(%dma_wait3A_714 : memref<8x2048xf32, #tpu.memory_space<vmem_shared>>) dst(%dma_wait3A_710 : memref<8x2048xf32, #tpu.memory_space<hbm>>)
    %dma_wait3A_715 = arith.constant 4 : i32
    %dma_wait3A_716 = arith.constant 0 : i32
    %dma_wait3A_717 = tpu.memref_slice %arg5[%multiple_of3A_609, %dma_wait3A_716] : memref<4096x2048xf32, #tpu.memory_space<hbm>> -> memref<8x2048xf32, #tpu.memory_space<hbm>>
    %dma_wait3A_718 = arith.constant 0 : i32
    %dma_wait3A_719 = arith.constant 0 : i32
    %dma_wait3A_720 = tpu.memref_slice %arg10[%arg1, %dma_wait3A_715, %dma_wait3A_718, %dma_wait3A_719] : memref<16x5x8x2048xf32, #tpu.memory_space<vmem_shared>> -> memref<1x1x8x2048xf32, #tpu.memory_space<vmem_shared>>
    %dma_wait3A_721 = tpu.memref_squeeze %dma_wait3A_720 : memref<1x1x8x2048xf32, #tpu.memory_space<vmem_shared>> -> memref<8x2048xf32, #tpu.memory_space<vmem_shared>>
    tpu.wait_dma2 semaphore(%arg22 : memref<!tpu.dma_semaphore, #tpu.memory_space<semaphore_mem>>) src(%dma_wait3A_721 : memref<8x2048xf32, #tpu.memory_space<vmem_shared>>) dst(%dma_wait3A_717 : memref<8x2048xf32, #tpu.memory_space<hbm>>)
    return
  }
}

</mosaic_0001>

<sc_bundles>
// kernel: kernel.3.cloned.1.call-start
scs
__scs_entry_jumppad:
0x0: {  	(pc) =	sbr.rel $0x88, $3  }
0x1: {  	(tag) =	ssettag $0x0;
	lr =	simm.s32 $0x1  }
0x2: {  	[smem:$0x3FA0] =	sst lr;
	_ =	strace $0xD0000000  }
0x3: {  	_ = 	snop  }
0x4: {  	_ = 	snop  }
0x5: {  	_ = 	snop  }
0x6: {  	_ = 	snop  }
0x7: {  	_ = 	snop  }
__scs_overlays_trampoline_lowered:
0x8: {  	[smem:$0x3FAF] =	sst s0  }
0x9: {  	[smem:$0x3FB0] =	sst s1  }
0xa: {  	[smem:$0x3FB1] =	sst s2  }
0xb: {  	[smem:$0x3FB2] =	sst s3  }
0xc: {  	[smem:$0x3FB3] =	sst s4  }
0xd: {  	[smem:$0x3FB4] =	sst s5  }
0xe: {  	[smem:$0x3FB5] =	sst s6  }
0xf: {  	[smem:$0x3FB6] =	sst s7  }
0x10: {  	[smem:$0x3FB7] =	sst s8  }
0x11: {  	[smem:$0x3FB8] =	sst s9;
	s0 =	simm.s32 @!p0 $0x0  }
0x12: {  	s1 =	sld [smem:$0x3F9E];
	s0 =	simm.s32 @p0 $0x1  }
0x13: {  	[smem:$0x3FB9] =	sst s0;
	s0 =	simm.s32 @!p1 $0x0  }
0x14: {  	s2 =	sld [smem:$0x3F9D];
	s0 =	simm.s32 @p1 $0x1  }
0x15: {  	[smem:$0x3FBA] =	sst s0;
	s0 =	simm.s32 @!p2 $0x0  }
0x16: {  	s3 =	sld [smem:$0x3FDB];
	s0 =	simm.s32 @p2 $0x1  }
0x17: {  	s4 =	simm.s32 $0x1BF5;
	[smem:$0x3FBC] =	sst s0  }
0x18: {  	s0 =	sld [smem:$0x3F9F];
	_ =	swait.ge [sflag:s4], $0x0  }
0x19: {  	s7 =	sld [smem:$0x3FA0]  }
0x1a: {  	s8 =	sadd.s32 $0xFFFFE003, lr  }
0x1b: {  	s9 =	sadd.s32 $0xFFFFFEF7, lr;
	s5 =	simm.s32 $0xFFFFFFFF;
	p2 =	slt.u32 s8, $0xFFFFF086  }
0x1c: {  	p1 =	slt.u32 s9, $0xF7A;
	s5 =	simm.s32 @!p2 $0x0  }
0x1d: {  	s5 =	simm.s32 @p1 $0x1;
	p0 =	seq.s32 s7, s2  }
0x1e: {  	s7 =	smul.u32 @!p0 $0xF7A, s2;
	p2 =	seq.s32 @!p0 s5, $0x0  }
0x1f: {  	s9 =	smul.u32 $0xF7A, s1;
	s8 =	simm.s32 @!p0 $0x1BF5;
	p2 =	por !p2, p0  }
0x20: {  	[sflag:s8] =	ssyncset.s32 @!p0 $0xFFFFF086;
	s6 =	sadd.s32 @!p0 s3, s7;
	s7 =	simm.s32 @!p0 $0x108  }
0x21: {  	s3 =	sadd.s32 s3, s9;
	s6 =	sadd.s32 @!p0 $0x88, s6;
	s7 =	simm.s32 @p2 $0x1082  }
0x22: {  	[simem:s7], [sflag:s8] =	dma.local @!p0 [hbm:s6], $0xF7A  }
0x23: {  	s9 =	sor.u32 $0xD0000000, s2;
	s6 =	simm.s32 $0x108;
	_ =	swait.ge @!p0 [sflag:s8], $0x0  }
0x24: {  	s3 =	sadd.s32 $0x88, s3;
	s6 =	simm.s32 @!p1 $0x1082;
	[sflag:s4] =	ssyncset.s32 $0xFFFFF086  }
0x25: {  	[simem:s6], [sflag:s4] =	dma.local [hbm:s3], $0xF7A  }
0x26: {  	[smem:$0x3FA0] =	sst s1;
	(tag) =	ssettag s2;
	_ =	strace s9  }
0x27: {  	s1 =	sld [smem:$0x3FB0]  }
0x28: {  	s2 =	sld [smem:$0x3FB1]  }
0x29: {  	s4 =	sld [smem:$0x3FB3]  }
0x2a: {  	p0 =	seq.s32 s5, $0x0;
	s5 =	sld [smem:$0x3FB4]  }
0x2b: {  	s6 =	sld [smem:$0x3FB5]  }
0x2c: {  	s7 =	sld [smem:$0x3FB6]  }
0x2d: {  	s3 =	simm.s32 $0x108;
	s8 =	sld [smem:$0x3FB7]  }
0x2e: {  	s3 =	simm.s32 @!p0 $0x1082;
	s9 =	sld [smem:$0x3FB8]  }
0x2f: {  	lr =	sadd.s32 s0, s3;
	s0 =	sld [smem:$0x3FAF]  }
0x30: {  	s3 =	sld [smem:$0x3FB2]  }
0x31: {  	[smem:$0x3FBB] =	sst s10  }
0x32: {  	s10 =	sld [smem:$0x3FB9];
	_ =	sdelay $0x3  }
0x33: {  	p0 =	seq.s32 s10, $0x1;
	s10 =	sld [smem:$0x3FBB];
	_ =	sdelay $0x3  }
0x34: {  	[smem:$0x3FBB] =	sst s10  }
0x35: {  	s10 =	sld [smem:$0x3FBA];
	_ =	sdelay $0x3  }
0x36: {  	p1 =	seq.s32 s10, $0x1;
	s10 =	sld [smem:$0x3FBB];
	_ =	sdelay $0x3  }
0x37: {  	[smem:$0x3FBB] =	sst s10  }
0x38: {  	s10 =	sld [smem:$0x3FBC]  }
0x39: {  	_ = 	snop;
	(pc) =	sbr.ind lr, $3  }
0x3a: {  	_ = 	snop  }
0x3b: {  	_ = 	snop  }
0x3c: {  	p2 =	seq.s32 s10, $0x1;
	s10 =	sld [smem:$0x3FBB]  }
0x3d: {  	_ =	shalt  }
0x3e: {  	_ =	shalt  }
0x3f: {  	_ =	shalt  }
0x40: {  	_ =	shalt  }
0x41: {  	_ =	shalt  }
0x42: {  	_ =	shalt  }
0x43: {  	_ =	shalt  }
0x44: {  	_ =	shalt  }
0x45: {  	_ =	shalt  }
0x46: {  	_ =	shalt  }
0x47: {  	_ =	shalt  }
0x48: {  	_ =	shalt  }
0x49: {  	_ =	shalt  }
0x4a: {  	_ =	shalt  }
0x4b: {  	_ =	shalt  }
0x4c: {  	_ =	shalt  }
0x4d: {  	_ =	shalt  }
0x4e: {  	_ =	shalt  }
0x4f: {  	_ =	shalt  }
0x50: {  	_ =	shalt  }
0x51: {  	_ =	shalt  }
0x52: {  	_ =	shalt  }
0x53: {  	_ =	shalt  }
0x54: {  	_ =	shalt  }
0x55: {  	_ =	shalt  }
0x56: {  	_ =	shalt  }
0x57: {  	_ =	shalt  }
0x58: {  	_ =	shalt  }
0x59: {  	_ =	shalt  }
0x5a: {  	_ =	shalt  }
0x5b: {  	_ =	shalt  }
0x5c: {  	_ =	shalt  }
0x5d: {  	_ =	shalt  }
0x5e: {  	_ =	shalt  }
0x5f: {  	_ =	shalt  }
0x60: {  	_ =	shalt  }
0x61: {  	_ =	shalt  }
0x62: {  	_ =	shalt  }
0x63: {  	_ =	shalt  }
0x64: {  	_ =	shalt  }
0x65: {  	_ =	shalt  }
0x66: {  	_ =	shalt  }
0x67: {  	_ =	shalt  }
0x68: {  	_ =	shalt  }
0x69: {  	_ =	shalt  }
0x6a: {  	_ =	shalt  }
0x6b: {  	_ =	shalt  }
0x6c: {  	_ =	shalt  }
0x6d: {  	_ =	shalt  }
0x6e: {  	_ =	shalt  }
0x6f: {  	_ =	shalt  }
0x70: {  	_ =	shalt  }
0x71: {  	_ =	shalt  }
0x72: {  	_ =	shalt  }
0x73: {  	_ =	shalt  }
0x74: {  	_ =	shalt  }
0x75: {  	_ =	shalt  }
0x76: {  	_ =	shalt  }
0x77: {  	_ =	shalt  }
0x78: {  	_ =	shalt  }
0x79: {  	_ =	shalt  }
0x7a: {  	_ =	shalt  }
0x7b: {  	_ =	shalt  }
0x7c: {  	_ =	shalt  }
0x7d: {  	_ =	shalt  }
0x7e: {  	_ =	shalt  }
0x7f: {  	_ =	shalt  }
0x80: {  	_ =	shalt  }
0x81: {  	_ =	shalt  }
0x82: {  	_ =	shalt  }
0x83: {  	_ =	shalt  }
0x84: {  	_ =	shalt  }
0x85: {  	_ =	shalt  }
0x86: {  	_ =	shalt  }
0x87: {  	_ =	shalt  }
.Lfunc_end0:
.L_simem_size_0:
called_computation_lowered:
.L_overlay_start_0:
0x88: {  	s2 =	sld [smem:$0x3FD9]  }
0x89: {  	s3 =	sld [smem:$0x3FFE];
	_ =	sdelay $0x1  }
0x8a: {  	s1 =	srdreg.scid  }
0x8b: {  	s0 =	sand.u32 $0x1, s1  }
0x8c: {  	s17 =	sshll.u32 s0, $0xA;
	s2 =	sadd.s32 s3, s2  }
0x8d: {  	s2 =	sadd.s32 s2, s17  }
0x8e: {  	[smem:$0x3FC7] =	sst s2  }
0x8f: {  	_ = 	snop  }
0x90: {  	s2 =	sld [smem:$0x3FC9]  }
0x91: {  	s18 =	sld [smem:$0x3FD0];
	(tm) =	ssettm $0x1  }
0x92: {  	s4 =	sld [smem:$0x3FFB];
	_ =	sdelay $0x3  }
0x93: {  	_ =	strace s4  }
0x94: {  	s4 =	sld [smem:$0x3FFC];
	_ =	sdelay $0x3  }
0x95: {  	_ =	strace s4  }
0x96: {  	s4 =	sld [smem:$0x3FFD];
	_ =	sdelay $0x3  }
0x97: {  	_ =	strace s4  }
0x98: {  	_ =	strace $0x8FFFFFFF  }
0x99: {  	s19 =	sld [smem:$0x3FDB];
	_ =	sdelay $0x1  }
0x9a: {  	s5 =	simm.s32 $_scs_section_size  }
0x9b: {  	s6 =	simm.s32 $_size__tile_overlayer_lowered;
	s7 =	simm.s32 $_tile_overlayer_lowered  }
0x9c: {  	s22 =	simm.s32 $0x1BFF;
	s21 =	sshll.u32 s7, $0x1;
	s4 =	sadd.s32 s5, s19  }
0x9d: {  	s8 =	simm.s32 $0x0;
	s20 =	sshll.u32 s6, $0x1;
	s6 =	sadd.s32 s21, s4  }
0x9e: {  	[timem:s8], [sflag:s22] =	dma.local [hbm:s6], s20  }
0x9f: {  	_ =	swait.ge [sflag:s22], s20  }
0xa0: {  	s5 =	ssub.s32 $0x0, s20;
	[sflag:s22] =	ssyncset.done $0x0  }
0xa1: {  	[sflag:s22] =	ssyncadd.s32 s5;
	_ =	sdelay $0x1  }
0xa2: {  	s23 =	simm.s32 $0x1B8B  }
0xa3: {  	_ =	swait.ge [sflag:s23], $0x1  }
0xa4: {  	[sflag:s23] =	ssyncset.done $0x0  }
0xa5: {  	s25 =	simm.s32 $0x1B8E;
	s24 =	sld [smem:$0x3FFE];
	[sflag:s23] =	ssyncadd.s32 $0xFFFFFFFF  }
0xa6: {  	s26 =	simm.s32 $execute0_lowered;
	[smem:$0x3FD2] =	sst s25  }
0xa7: {  	s6 =	sshll.u32 s26, $0x1;
	_ =	strace $0x80000046;
	[dreg:$0x1] =	wrdreg $0xFFFFFFFF  }
0xa8: {  	s28 =	simm.s32 $_size_execute0_lowered;
	s4 =	sadd.s32 s4, s6;
	[dreg:$0x0] =	wrdreg $0x0  }
0xa9: {  	s6 =	sshll.u32 s28, $0x1;
	[dreg:$0x2] =	wrdreg s4  }
0xaa: {  	[dreg:$0x3] =	wrdreg s6  }
0xab: {  	[dreg:$0x4] =	wrdreg $0xC0  }
0xac: {  	_ =	task [dreg:s8], $0x5FFFF  }
0xad: {  	[dreg:$0x1] =	wrdreg $0xFFFFFFFF  }
0xae: {  	[dreg:$0x0] =	wrdreg $0x60  }
0xaf: {  	[dreg:$0x2] =	wrdreg s2  }
0xb0: {  	[dreg:$0x3] =	wrdreg s24  }
0xb1: {  	[dreg:$0x4] =	wrdreg s18  }
0xb2: {  	[dreg:$0x5] =	wrdreg $0x90000  }
0xb3: {  	[dreg:$0x6] =	wrdreg $0x9  }
0xb4: {  	_ =	task.clear_ibuf [dreg:s8], $0x7FFFF;
	_ =	strace $0x90000046  }
0xb5: {  	s29 =	simm.s32 $0x9;
	_ =	strace $0x80000048  }
0xb6: {  	_ =	swait.ge [sflag:s29], $0x1  }
0xb7: {  	[sflag:s29] =	ssyncadd.s32 $0xFFFFFFFF  }
0xb8: {  	_ =	strace $0x90000048  }
0xb9: {  	_ =	sfence  }
0xba: {  	s30 =	sld [smem:$0x0];
	_ =	sdelay $0x2  }
0xbb: {  	s31 =	sshll.u32 s1, $0xD;
	s1 =	sshrl.u32 s1, $0x2  }
0xbc: {  	s3 =	sand.u32 $0x4000, s31;
	s1 =	sadd.s32 s1, s30  }
0xbd: {  	s0 =	sor.u32 s3, s0;
	s1 =	sshll.u32 s1, $0x11  }
0xbe: {  	s0 =	sor.u32 s1, s0  }
0xbf: {  	s0 =	sadd.s32 $0x8F2B, s0  }
0xc0: {  	[sflag:s0] =	ssyncadd.remote.s32 $0x1  }
0xc1: {  	_ =	sfence.sel $0xFFFF  }
0xc2: {  	[dreg:$0x0] =	wrdreg $0xFFFFFFFF;
	(pc) =	sbr.abs _section_cstart, $3  }
0xc3: {  	[dreg:$0x1] =	wrdreg $0xFFFFFFFF  }
0xc4: {  	_ =	task.clear_ibuf [dreg:s8], $0x2FFFF;
	_ =	strace $0x9FFFFFFF  }
0xc5: {  	(tm) =	ssettm $0x7FFFFFFF  }
tec
execute0_lowered:
.L_overlay_start_1:
0x0: {  	(tag) =	ssettag $0x1  }
0x1: {  	s1 =	rddreg [dreg:$0x0]  }
0x2: {  	s0 =	rddreg [dreg:$0x1]  }
0x3: {  	s2 =	rddreg [dreg:$0x2]  }
0x4: {  	s3 =	rddreg [dreg:$0x3];
	s22 =	simm.s32 $0x0;
	s5 =	srdreg.scid  }
0x5: {  	s4 =	stileid.u32;
	s9 =	simm.s32 $0xC;
	s12 =	simm.s32 $0x1000  }
0x6: {  	s31 =	simm.s32 $0x3;
	[smem:$0x7FF] =	sst s22;
	s5 =	sand.u32 $0x1, s5  }
0x7: {  	s7 =	smul.u32 $0x50000, s4;
	s8 =	sadd.s32 $0x2400, s0;
	s19 =	sshll.u32 s4, $0x9  }
0x8: {  	s24 =	sshll.u32 s4, $0x6;
	_ =	strace $0x80000047;
	[dreg:$0x5] =	wrdreg s8  }
0x9: {  	s6 =	sshll.u32 s5, $0x8;
	s4 =	sor.u32 $0x1C02, s24;
	[dreg:$0xb] =	wrdreg s24  }
0xa: {  	s5 =	ssub.s32 $0x2, s5;
	s25 =	sor.u32 $0x1C03, s24;
	[dreg:$0x8] =	wrdreg s4  }
0xb: {  	s26 =	sor.u32 $0x1C04, s24;
	s28 =	sor.u32 $0x1C05, s24;
	[dreg:$0x9] =	wrdreg s25  }
0xc: {  	s29 =	sor.u32 $0x1C06, s24;
	s30 =	sor.u32 $0x1C07, s24;
	[dreg:$0xa] =	wrdreg s26  }
0xd: {  	s8 =	simm.s32 $0x6;
	s0 =	sadd.s32 s6, s0;
	[dreg:$0xc] =	wrdreg s28  }
0xe: {  	s18 =	sshrl.u32 s5, $0x1;
	s7 =	sshrl.u32 s7, $0x2;
	[dreg:$0xd] =	wrdreg s29  }
0xf: {  	[dreg:$0xe] =	wrdreg s30;
	s6 =	simm.s32 $0x0;
	s0 =	sadd.s32 s19, s0  }
0x10: {  	s5 =	ssub.s32 s5, s18;
	s3 =	sadd.s32 s7, s3;
	s0 =	sadd.s32 $0x400, s0  }
0x11: {  	s20 =	sadd.s32 $0x4000, s3;
	s21 =	sadd.s32 $0x8000, s3;
	s7 =	sadd.s32 $0xC000, s3  }
0x12: {  	s23 =	sadd.s32 $0x10000, s3;
	s5 =	smax.u32 s5, $0x1;
	[dreg:$0x6] =	wrdreg s0  }
0x13: {  	s15 =	sshrl.u32 s3, $0x3;
	[dreg:$0x7] =	wrdreg s5;
	s17 =	sshrl.u32 s20, $0x3  }
0x14: {  	s19 =	sshrl.u32 s21, $0x3;
	s21 =	sshrl.u32 s7, $0x3;
	s23 =	sshrl.u32 s23, $0x3  }
.LBB2_1:
0x15: {  	s4 =	rddreg [dreg:$0x6];
	s5 =	simm.s32 $0x1D000  }
0x16: {  	[tilespmem:s5], [sflag:$0xC] =	stream.linear.gather [hbm4b:s4+s22], $0x800, $0x38;
	[tilespmem:$0x1D800] =	vst v63  }
0x17: {  	_ =	swait.ge [sflag:s9], $0x800  }
0x18: {  	[sflag:s9] =	ssyncset.done $0x0  }
0x19: {  	[sflag:s9] =	ssyncadd.s32 $0xFFFFF800  }
0x1a: {  	v0 =	vld [tilespmem:$0x1D000];
	_ =	sdelay $0x4  }
0x1b: {  	(v2sf) =	vpush v0, $0x0  }
0x1c: {  	(v2sf) =	vpush v0, $0x1;
	_ =	sdelay $0x4  }
0x1d: {  	(v2sf) =	vpush v0, $0x2;
	_ =	sdelay $0x8  }
0x1e: {  	s13 =	spop (v2sf)  }
0x1f: {  	s7 =	spop (v2sf)  }
0x20: {  	s16 =	sshll.u32 s7, $0xB;
	s7 =	sshll.u32 s7, $0x7  }
0x21: {  	s9 =	sand.u32 $0xFFFFC000, s16;
	s7 =	sand.u32 $0x380, s7  }
0x22: {  	s7 =	sor.u32 s7, s9  }
0x23: {  	s14 =	simm.s32 $0x80;
	s18 =	rddreg [dreg:$0x5];
	s7 =	sshrl.u32 s7, $0x3  }
0x24: {  	s20 =	spop (v2sf);
	s16 =	simm.s32 $0x400;
	s7 =	sadd.s32 s18, s7  }
0x25: {  	[tilespmem:s22], [sflag:$0x1] =	stream.strided.gather [hbm4b:s7+s14], $0x800, s16, s14, $0x38;
	[tilespmem:$0x1D800] =	vst v63  }
0x26: {  	s24 =	sshll.u32 s20, $0xB;
	s7 =	sshll.u32 s20, $0x7  }
0x27: {  	s9 =	sand.u32 $0xFFFFC000, s24;
	s7 =	sand.u32 $0x380, s7  }
0x28: {  	s7 =	sor.u32 s7, s9  }
0x29: {  	s5 =	sshll.u32 s13, $0x8;
	s7 =	sshrl.u32 s7, $0x3  }
0x2a: {  	s5 =	sand.u32 $0xFFFF800, s5;
	s25 =	sadd.s32 s18, s7;
	s7 =	simm.s32 $0x800  }
0x2b: {  	[tilespmem:s7], [sflag:$0x1] =	stream.strided.gather [hbm4b:s25+s14], $0x800, s16, s14, $0x38;
	[tilespmem:$0x1D800] =	vst v63  }
0x2c: {  	s5 =	sadd.s32 s1, s5  }
0x2d: {  	[tilespmem:s12], [sflag:$0x1] =	stream.linear.gather [hbm4b:s5+s22], $0x4000, $0x38;
	[tilespmem:$0x1D800] =	vst v63  }
0x2e: {  	v0 =	vld [tilespmem:$0x1D080];
	_ =	sdelay $0x4  }
0x2f: {  	(v2sf) =	vpush v0, $0x0;
	_ =	sdelay $0xe  }
0x30: {  	s26 =	spop (v2sf)  }
0x31: {  	s5 =	sshll.u32 s26, $0x8  }
0x32: {  	s5 =	sand.u32 $0xFFFF800, s5  }
0x33: {  	s4 =	rddreg [dreg:$0x8];
	s28 =	sadd.s32 s1, s5  }
0x34: {  	[spmem:s15], [sflag:s4] =	dma.local [hbm:s28], $0x800  }
0x35: {  	v0 =	vld [tilespmem:$0x1D100];
	_ =	sdelay $0x4  }
0x36: {  	(v2sf) =	vpush v0, $0x0;
	_ =	sdelay $0xe  }
0x37: {  	s9 =	spop (v2sf)  }
0x38: {  	s9 =	sshll.u32 s9, $0x8  }
0x39: {  	s9 =	sand.u32 $0xFFFF800, s9  }
0x3a: {  	s25 =	rddreg [dreg:$0x9];
	s30 =	sadd.s32 s1, s9  }
0x3b: {  	[spmem:s17], [sflag:s25] =	dma.local [hbm:s30], $0x800  }
0x3c: {  	v0 =	vld [tilespmem:$0x1D180];
	_ =	sdelay $0x4  }
0x3d: {  	(v2sf) =	vpush v0, $0x0;
	_ =	sdelay $0xe  }
0x3e: {  	s14 =	spop (v2sf)  }
0x3f: {  	s14 =	sshll.u32 s14, $0x8  }
0x40: {  	s14 =	sand.u32 $0xFFFF800, s14  }
0x41: {  	s13 =	rddreg [dreg:$0xa];
	s0 =	sadd.s32 s1, s14  }
0x42: {  	[spmem:s19], [sflag:s13] =	dma.local [hbm:s0], $0x800  }
0x43: {  	v0 =	vld [tilespmem:$0x1D200];
	_ =	sdelay $0x4  }
0x44: {  	(v2sf) =	vpush v0, $0x0;
	_ =	sdelay $0xe  }
0x45: {  	s16 =	spop (v2sf)  }
0x46: {  	s16 =	sshll.u32 s16, $0x8  }
0x47: {  	s18 =	sand.u32 $0xFFFF800, s16  }
0x48: {  	s26 =	rddreg [dreg:$0xc];
	s16 =	sadd.s32 s1, s18  }
0x49: {  	[spmem:s21], [sflag:s26] =	dma.local [hbm:s16], $0x800  }
0x4a: {  	v0 =	vld [tilespmem:$0x1D280];
	_ =	sdelay $0x4  }
0x4b: {  	(v2sf) =	vpush v0, $0x0;
	_ =	sdelay $0xe  }
0x4c: {  	s16 =	spop (v2sf)  }
0x4d: {  	s16 =	sshll.u32 s16, $0x8  }
0x4e: {  	s20 =	sand.u32 $0xFFFF800, s16  }
0x4f: {  	s29 =	simm.s32 $0x2;
	s28 =	rddreg [dreg:$0xd];
	s16 =	sadd.s32 s1, s20  }
0x50: {  	[spmem:s23], [sflag:s28] =	dma.local [hbm:s16], $0x800  }
0x51: {  	_ =	swait.ge [sflag:s29], $0x800  }
0x52: {  	[sflag:s29] =	ssyncset.done $0x0  }
0x53: {  	s5 =	sadd.s32 s2, s5;
	s30 =	rddreg [dreg:$0xe];
	[sflag:s29] =	ssyncadd.s32 $0xFFFFF800  }
0x54: {  	[hbm:s5], [sflag:s30] =	dma.local [spmem:s15], $0x800  }
0x55: {  	_ =	swait.ge [sflag:s31], $0x800  }
0x56: {  	s3 =	sadd.s32 s2, s9;
	[sflag:s31] =	ssyncset.done $0x0;
	s24 =	rddreg [dreg:$0xb]  }
0x57: {  	s0 =	simm.s32 $0x4;
	[sflag:s31] =	ssyncadd.s32 $0xFFFFF800;
	s16 =	sor.u32 $0x1C08, s24  }
0x58: {  	[hbm:s3], [sflag:s16] =	dma.local [spmem:s17], $0x800  }
0x59: {  	_ =	swait.ge [sflag:s0], $0x800  }
0x5a: {  	s9 =	sadd.s32 s2, s14;
	[sflag:s0] =	ssyncset.done $0x0  }
0x5b: {  	s14 =	sor.u32 $0x1C09, s24;
	s3 =	simm.s32 $0x5;
	[sflag:s0] =	ssyncadd.s32 $0xFFFFF800  }
0x5c: {  	[hbm:s9], [sflag:s14] =	dma.local [spmem:s19], $0x800  }
0x5d: {  	_ =	swait.ge [sflag:s3], $0x800  }
0x5e: {  	[sflag:s3] =	ssyncset.done $0x0  }
0x5f: {  	s18 =	sadd.s32 s2, s18;
	s9 =	sor.u32 $0x1C0A, s24;
	[sflag:s3] =	ssyncadd.s32 $0xFFFFF800  }
0x60: {  	[hbm:s18], [sflag:s9] =	dma.local [spmem:s21], $0x800  }
0x61: {  	_ =	swait.ge [sflag:s8], $0x800  }
0x62: {  	s20 =	sadd.s32 s2, s20;
	[sflag:s8] =	ssyncset.done $0x0  }
0x63: {  	s5 =	sor.u32 $0x1C0B, s24;
	s24 =	simm.s32 $0x7;
	[sflag:s8] =	ssyncadd.s32 $0xFFFFF800  }
0x64: {  	[hbm:s20], [sflag:s5] =	dma.local [spmem:s23], $0x800  }
0x65: {  	_ =	swait.ge [sflag:s24], $0x800  }
0x66: {  	[sflag:s24] =	ssyncset.done $0x0  }
0x67: {  	[sflag:s24] =	ssyncadd.s32 $0xFFFFF800  }
0x68: {  	v0 =	vld [tilespmem:$0x1D300];
	_ =	sdelay $0x4  }
0x69: {  	(v2sf) =	vpush v0, $0x0;
	_ =	sdelay $0xe  }
0x6a: {  	s20 =	spop (v2sf)  }
0x6b: {  	s18 =	sshll.u32 s20, $0x8  }
0x6c: {  	s18 =	sand.u32 $0xFFFF800, s18  }
0x6d: {  	s20 =	sadd.s32 s1, s18  }
0x6e: {  	[spmem:s15], [sflag:s4] =	dma.local [hbm:s20], $0x800  }
0x6f: {  	_ =	swait.ge [sflag:s29], $0x800  }
0x70: {  	[sflag:s29] =	ssyncset.done $0x0  }
0x71: {  	s10 =	simm.s32 $0x8;
	s18 =	sadd.s32 s2, s18;
	[sflag:s29] =	ssyncadd.s32 $0xFFFFF800  }
0x72: {  	[hbm:s18], [sflag:s30] =	dma.local [spmem:s15], $0x800  }
0x73: {  	_ =	swait.ge [sflag:s10], $0x800  }
0x74: {  	[sflag:s10] =	ssyncset.done $0x0  }
0x75: {  	[sflag:s10] =	ssyncadd.s32 $0xFFFFF800  }
0x76: {  	v0 =	vld [tilespmem:$0x1D380];
	_ =	sdelay $0x4  }
0x77: {  	(v2sf) =	vpush v0, $0x0;
	_ =	sdelay $0xe  }
0x78: {  	s20 =	spop (v2sf)  }
0x79: {  	s18 =	sshll.u32 s20, $0x8  }
0x7a: {  	s18 =	sand.u32 $0xFFFF800, s18  }
0x7b: {  	s20 =	sadd.s32 s1, s18  }
0x7c: {  	[spmem:s17], [sflag:s25] =	dma.local [hbm:s20], $0x800  }
0x7d: {  	_ =	swait.ge [sflag:s31], $0x800  }
0x7e: {  	[sflag:s31] =	ssyncset.done $0x0  }
0x7f: {  	s10 =	simm.s32 $0x9;
	s18 =	sadd.s32 s2, s18;
	[sflag:s31] =	ssyncadd.s32 $0xFFFFF800  }
0x80: {  	[hbm:s18], [sflag:s16] =	dma.local [spmem:s17], $0x800  }
0x81: {  	_ =	swait.ge [sflag:s10], $0x800  }
0x82: {  	[sflag:s10] =	ssyncset.done $0x0  }
0x83: {  	[sflag:s10] =	ssyncadd.s32 $0xFFFFF800  }
0x84: {  	v0 =	vld [tilespmem:$0x1D400];
	_ =	sdelay $0x4  }
0x85: {  	(v2sf) =	vpush v0, $0x0;
	_ =	sdelay $0xe  }
0x86: {  	s20 =	spop (v2sf)  }
0x87: {  	s18 =	sshll.u32 s20, $0x8  }
0x88: {  	s18 =	sand.u32 $0xFFFF800, s18  }
0x89: {  	s20 =	sadd.s32 s1, s18  }
0x8a: {  	[spmem:s19], [sflag:s13] =	dma.local [hbm:s20], $0x800  }
0x8b: {  	_ =	swait.ge [sflag:s0], $0x800  }
0x8c: {  	[sflag:s0] =	ssyncset.done $0x0  }
0x8d: {  	s11 =	simm.s32 $0xA;
	s18 =	sadd.s32 s2, s18;
	[sflag:s0] =	ssyncadd.s32 $0xFFFFF800  }
0x8e: {  	[hbm:s18], [sflag:s14] =	dma.local [spmem:s19], $0x800  }
0x8f: {  	_ =	swait.ge [sflag:s11], $0x800  }
0x90: {  	[sflag:s11] =	ssyncset.done $0x0  }
0x91: {  	[sflag:s11] =	ssyncadd.s32 $0xFFFFF800  }
0x92: {  	v0 =	vld [tilespmem:$0x1D480];
	_ =	sdelay $0x4  }
0x93: {  	(v2sf) =	vpush v0, $0x0;
	_ =	sdelay $0xe  }
0x94: {  	s20 =	spop (v2sf)  }
0x95: {  	s18 =	sshll.u32 s20, $0x8  }
0x96: {  	s18 =	sand.u32 $0xFFFF800, s18  }
0x97: {  	s20 =	sadd.s32 s1, s18  }
0x98: {  	[spmem:s21], [sflag:s26] =	dma.local [hbm:s20], $0x800  }
0x99: {  	_ =	swait.ge [sflag:s3], $0x800  }
0x9a: {  	[sflag:s3] =	ssyncset.done $0x0  }
0x9b: {  	s11 =	simm.s32 $0xB;
	s18 =	sadd.s32 s2, s18;
	[sflag:s3] =	ssyncadd.s32 $0xFFFFF800  }
0x9c: {  	[hbm:s18], [sflag:s9] =	dma.local [spmem:s21], $0x800  }
0x9d: {  	_ =	swait.ge [sflag:s11], $0x800  }
0x9e: {  	[sflag:s11] =	ssyncset.done $0x0  }
0x9f: {  	[sflag:s11] =	ssyncadd.s32 $0xFFFFF800  }
0xa0: {  	v0 =	vld [tilespmem:$0x1D500];
	_ =	sdelay $0x4  }
0xa1: {  	(v2sf) =	vpush v0, $0x0;
	_ =	sdelay $0xe  }
0xa2: {  	s20 =	spop (v2sf)  }
0xa3: {  	s18 =	sshll.u32 s20, $0x8  }
0xa4: {  	s18 =	sand.u32 $0xFFFF800, s18  }
0xa5: {  	s20 =	sadd.s32 s1, s18  }
0xa6: {  	[spmem:s23], [sflag:s28] =	dma.local [hbm:s20], $0x800  }
0xa7: {  	_ =	swait.ge [sflag:s8], $0x800  }
0xa8: {  	[sflag:s8] =	ssyncset.done $0x0  }
0xa9: {  	s18 =	sadd.s32 s2, s18;
	[sflag:s8] =	ssyncadd.s32 $0xFFFFF800  }
0xaa: {  	[hbm:s18], [sflag:s5] =	dma.local [spmem:s23], $0x800  }
0xab: {  	_ =	swait.ge [sflag:s24], $0x800  }
0xac: {  	[sflag:s24] =	ssyncset.done $0x0  }
0xad: {  	[sflag:s24] =	ssyncadd.s32 $0xFFFFF800  }
0xae: {  	v0 =	vld [tilespmem:$0x1D580];
	_ =	sdelay $0x4  }
0xaf: {  	(v2sf) =	vpush v0, $0x0;
	_ =	sdelay $0xe  }
0xb0: {  	s20 =	spop (v2sf)  }
0xb1: {  	s18 =	sshll.u32 s20, $0x8  }
0xb2: {  	s18 =	sand.u32 $0xFFFF800, s18  }
0xb3: {  	s20 =	sadd.s32 s1, s18  }
0xb4: {  	[spmem:s15], [sflag:s4] =	dma.local [hbm:s20], $0x800  }
0xb5: {  	_ =	swait.ge [sflag:s29], $0x800  }
0xb6: {  	[sflag:s29] =	ssyncset.done $0x0  }
0xb7: {  	s18 =	sadd.s32 s2, s18;
	[sflag:s29] =	ssyncadd.s32 $0xFFFFF800;
	s29 =	simm.s32 $0x8  }
0xb8: {  	[hbm:s18], [sflag:s30] =	dma.local [spmem:s15], $0x800  }
0xb9: {  	_ =	swait.ge [sflag:s29], $0x800  }
0xba: {  	[sflag:s29] =	ssyncset.done $0x0  }
0xbb: {  	[sflag:s29] =	ssyncadd.s32 $0xFFFFF800  }
0xbc: {  	v0 =	vld [tilespmem:$0x1D600];
	_ =	sdelay $0x4  }
0xbd: {  	(v2sf) =	vpush v0, $0x0;
	_ =	sdelay $0xe  }
0xbe: {  	s30 =	spop (v2sf)  }
0xbf: {  	s18 =	sshll.u32 s30, $0x8  }
0xc0: {  	s18 =	sand.u32 $0xFFFF800, s18  }
0xc1: {  	s4 =	sadd.s32 s1, s18  }
0xc2: {  	[spmem:s17], [sflag:s25] =	dma.local [hbm:s4], $0x800  }
0xc3: {  	_ =	swait.ge [sflag:s31], $0x800  }
0xc4: {  	[sflag:s31] =	ssyncset.done $0x0  }
0xc5: {  	s18 =	sadd.s32 s2, s18;
	[sflag:s31] =	ssyncadd.s32 $0xFFFFF800  }
0xc6: {  	[hbm:s18], [sflag:s16] =	dma.local [spmem:s17], $0x800  }
0xc7: {  	_ =	swait.ge [sflag:s10], $0x800  }
0xc8: {  	[sflag:s10] =	ssyncset.done $0x0  }
0xc9: {  	[sflag:s10] =	ssyncadd.s32 $0xFFFFF800  }
0xca: {  	v0 =	vld [tilespmem:$0x1D680];
	_ =	sdelay $0x4  }
0xcb: {  	(v2sf) =	vpush v0, $0x0;
	_ =	sdelay $0xe  }
0xcc: {  	s30 =	spop (v2sf)  }
0xcd: {  	s16 =	sshll.u32 s30, $0x8  }
0xce: {  	s16 =	sand.u32 $0xFFFF800, s16  }
0xcf: {  	s4 =	sadd.s32 s1, s16  }
0xd0: {  	[spmem:s19], [sflag:s13] =	dma.local [hbm:s4], $0x800  }
0xd1: {  	_ =	swait.ge [sflag:s0], $0x800  }
0xd2: {  	[sflag:s0] =	ssyncset.done $0x0  }
0xd3: {  	s16 =	sadd.s32 s2, s16;
	[sflag:s0] =	ssyncadd.s32 $0xFFFFF800;
	s0 =	simm.s32 $0xA  }
0xd4: {  	[hbm:s16], [sflag:s14] =	dma.local [spmem:s19], $0x800  }
0xd5: {  	_ =	swait.ge [sflag:s0], $0x800  }
0xd6: {  	[sflag:s0] =	ssyncset.done $0x0  }
0xd7: {  	[sflag:s0] =	ssyncadd.s32 $0xFFFFF800  }
0xd8: {  	v0 =	vld [tilespmem:$0x1D700];
	_ =	sdelay $0x4  }
0xd9: {  	(v2sf) =	vpush v0, $0x0;
	_ =	sdelay $0xe  }
0xda: {  	s16 =	spop (v2sf)  }
0xdb: {  	s14 =	sshll.u32 s16, $0x8  }
0xdc: {  	s14 =	sand.u32 $0xFFFF800, s14  }
0xdd: {  	s18 =	sadd.s32 s1, s14  }
0xde: {  	[spmem:s21], [sflag:s26] =	dma.local [hbm:s18], $0x800  }
0xdf: {  	_ =	swait.ge [sflag:s3], $0x800  }
0xe0: {  	[sflag:s3] =	ssyncset.done $0x0  }
0xe1: {  	s14 =	sadd.s32 s2, s14;
	[sflag:s3] =	ssyncadd.s32 $0xFFFFF800  }
0xe2: {  	[hbm:s14], [sflag:s9] =	dma.local [spmem:s21], $0x800  }
0xe3: {  	_ =	swait.ge [sflag:s11], $0x800  }
0xe4: {  	[sflag:s11] =	ssyncset.done $0x0  }
0xe5: {  	[sflag:s11] =	ssyncadd.s32 $0xFFFFF800  }
0xe6: {  	v0 =	vld [tilespmem:$0x1D780];
	_ =	sdelay $0x4  }
0xe7: {  	(v2sf) =	vpush v0, $0x0;
	_ =	sdelay $0xe  }
0xe8: {  	s20 =	spop (v2sf)  }
0xe9: {  	s9 =	sshll.u32 s20, $0x8  }
0xea: {  	s9 =	sand.u32 $0xFFFF800, s9  }
0xeb: {  	s25 =	sadd.s32 s1, s9  }
0xec: {  	[spmem:s23], [sflag:s28] =	dma.local [hbm:s25], $0x800  }
0xed: {  	_ =	swait.ge [sflag:s8], $0x800  }
0xee: {  	[sflag:s8] =	ssyncset.done $0x0  }
0xef: {  	s9 =	sadd.s32 s2, s9;
	[sflag:s8] =	ssyncadd.s32 $0xFFFFF800  }
0xf0: {  	[hbm:s9], [sflag:s5] =	dma.local [spmem:s23], $0x800  }
0xf1: {  	_ =	swait.ge [sflag:s24], $0x800  }
0xf2: {  	[sflag:s24] =	ssyncset.done $0x0  }
0xf3: {  	s26 =	simm.s32 $0x1;
	[sflag:s24] =	ssyncadd.s32 $0xFFFFF800  }
0xf4: {  	v0 =	vld [tilespmem:$0x1D000];
	_ =	swait.ge [sflag:s26], $0x800  }
0xf5: {  	[sflag:s26] =	ssyncset.done $0x0  }
0xf6: {  	[sflag:s26] =	ssyncadd.s32 $0xFFFFF800  }
0xf7: {  	_ =	swait.ge [sflag:s26], $0x800  }
0xf8: {  	[sflag:s26] =	ssyncset.done $0x0  }
0xf9: {  	[sflag:s26] =	ssyncadd.s32 $0xFFFFF800  }
0xfa: {  	_ =	swait.ge [sflag:s26], $0x4000  }
0xfb: {  	[sflag:s26] =	ssyncset.done $0x0  }
0xfc: {  	[sflag:s26] =	ssyncadd.s32 $0xFFFFC000  }
0xfd: {  	v1 =	vld [tilespmem:s22+$0x0];
	_ =	sdelay $0x4  }
0xfe: {  	v2 =	vshll.u32 v1, $0x3  }
0xff: {  	v1 =	vand.u32 $0x7F, v1;
	v2 =	vand.u32 $0xFFFFFC00, v2  }
0x100: {  	v1 =	vor.u32 v1, v2;
	_ =	sdelay $0x3  }
0x101: {  	v2 =	vld [tilespmem:s7+$0x0]  }
0x102: {  	v1 =	vld.idx.msk [tilespmem:v1+s12+$0x0], $0xffff;
	_ =	sdelay $0x4  }
0x103: {  	s30 =	sand.u32 $0x3C00, s22;
	s28 =	sand.u32 $0x70, s22;
	v1 =	vmul.f32 v2, v1  }
0x104: {  	s9 =	sor.u32 s28, s30  }
0x105: {  	s16 =	simm.s32 $0x20;
	s5 =	simm.s32 $0x10;
	[tilespmem:s9+$0x5000] =	vst v1  }
0x106: {  	s18 =	simm.s32 $0x10;
	s14 =	simm.s32 $0x800;
	s9 =	simm.s32 $0x0;
	v1 =	vld [tilespmem:s5+$0x0]  }
.LBB2_2:
0x107: {  	p0 =	sne.s32 s16, $0x7F0;
	_ =	sdelay $0x3  }
0x108: {  	v2 =	vshll.u32 v1, $0x3  }
0x109: {  	v1 =	vand.u32 $0x7F, v1;
	v2 =	vand.u32 $0xFFFFFC00, v2  }
0x10a: {  	v1 =	vor.u32 v1, v2;
	_ =	sdelay $0x4  }
0x10b: {  	s14 =	sadd.s32 $0x10, s14;
	v1 =	vld.idx.msk [tilespmem:v1+s12+$0x0], $0xffff  }
0x10c: {  	v2 =	vld [tilespmem:s14+$0x0];
	_ =	sdelay $0x3  }
.Ltmp0:
0x10d: {  	s9 =	sadd.s32 $0x80, s9;
	(pc) =	sbr.rel @p0 .LBB2_2-.Ltmp0, $4  }
0x10e: {  	s20 =	sand.u32 $0x70, s5;
	s5 =	smov.u32 s16;
	s22 =	sand.u32 $0x3C00, s9;
	v1 =	vmul.f32 v2, v1  }
0x10f: {  	s20 =	sor.u32 s20, s22  }
0x110: {  	s18 =	sadd.s32 $0x10, s18;
	[tilespmem:s20+$0x5000] =	vst v1  }
0x111: {  	s16 =	sadd.s32 $0x10, s16;
	v1 =	vld [tilespmem:s18+$0x0]  }
0x112: {  	_ =	sdelay $0x3  }
0x113: {  	v2 =	vshll.u32 v1, $0x3  }
0x114: {  	v1 =	vand.u32 $0x7F, v1;
	v2 =	vand.u32 $0xFFFFFC00, v2  }
0x115: {  	v1 =	vor.u32 v1, v2;
	_ =	sdelay $0x2  }
0x116: {  	s14 =	sadd.s32 $0x10, s14  }
0x117: {  	v2 =	vld [tilespmem:s14+$0x0]  }
0x118: {  	v1 =	vld.idx.msk [tilespmem:v1+s12+$0x0], $0xffff;
	_ =	sdelay $0x2  }
0x119: {  	p1 =	por $0x1, $0x1  }
.Ltmp1:
0x11a: {  	s9 =	sadd.s32 $0x80, s9;
	(pc) =	sbr.rel @!p1 .LBB2_4-.Ltmp1, $4  }
0x11b: {  	s5 =	sand.u32 $0x70, s5;
	s9 =	sand.u32 $0x3C00, s9;
	v1 =	vmul.f32 v2, v1  }
0x11c: {  	s5 =	sor.u32 s5, s9  }
0x11d: {  	[tilespmem:s5+$0x5000] =	vst v1;
	s5 =	simm.s32 $0x0  }
0x11e: {  	p0 =	por $0x0, $0x0;
	s9 =	simm.s32 $0x10;
	v1 =	vld [tilespmem:s5+$0x0]  }
0x11f: {  	_ =	sdelay $0x3  }
0x120: {  	v2 =	vshll.u32 v1, $0x3  }
0x121: {  	v1 =	vand.u32 $0x7F, v1;
	v2 =	vand.u32 $0xFFFFFC00, v2  }
0x122: {  	v1 =	vor.u32 v2, v1  }
0x123: {  	v1 =	vor.u32 $0x80, v1;
	_ =	sdelay $0x3  }
0x124: {  	v2 =	vld [tilespmem:s7+$0x0]  }
0x125: {  	v1 =	vld.idx.msk [tilespmem:v1+s12+$0x0], $0xffff;
	_ =	sdelay $0x2  }
0x126: {  	p3 =	por $0x1, $0x1  }
.Ltmp2:
0x127: {  	_ = 	snop;
	(pc) =	sbr.rel @!p3 .LBB2_6-.Ltmp2, $4  }
0x128: {  	s14 =	sand.u32 $0x70, s5;
	s16 =	sand.u32 $0x3C00, s5;
	v1 =	vmul.f32 v2, v1  }
0x129: {  	s14 =	sor.u32 s14, s16  }
0x12a: {  	s20 =	simm.s32 $0x20;
	p2 =	por $0x1, $0x1;
	s18 =	simm.s32 $0x10;
	[tilespmem:s14+$0x5080] =	vst v1  }
0x12b: {  	s22 =	simm.s32 $0x10;
	s16 =	simm.s32 $0x0;
	s14 =	simm.s32 $0x800;
	v1 =	vld [tilespmem:s9+$0x0]  }
.LBB2_7:
0x12c: {  	p3 =	sne.s32 s20, $0x7F0;
	_ =	sdelay $0x3  }
0x12d: {  	v2 =	vshll.u32 v1, $0x3  }
0x12e: {  	v1 =	vand.u32 $0x7F, v1;
	v2 =	vand.u32 $0xFFFFFC00, v2  }
0x12f: {  	v1 =	vor.u32 v2, v1  }
0x130: {  	v1 =	vor.u32 $0x80, v1;
	_ =	sdelay $0x4  }
0x131: {  	s14 =	sadd.s32 $0x10, s14;
	v1 =	vld.idx.msk [tilespmem:v1+s12+$0x0], $0xffff  }
0x132: {  	v2 =	vld [tilespmem:s14+$0x0];
	_ =	sdelay $0x3  }
.Ltmp3:
0x133: {  	s16 =	sadd.s32 $0x80, s16;
	(pc) =	sbr.rel @p3 .LBB2_7-.Ltmp3, $4  }
0x134: {  	s25 =	sand.u32 $0x70, s18;
	s18 =	smov.u32 s20;
	s4 =	sand.u32 $0x3C00, s16;
	v1 =	vmul.f32 v2, v1  }
0x135: {  	s4 =	sor.u32 s25, s4  }
0x136: {  	s22 =	sadd.s32 $0x10, s22;
	[tilespmem:s4+$0x5080] =	vst v1  }
0x137: {  	s20 =	sadd.s32 $0x10, s20;
	v1 =	vld [tilespmem:s22+$0x0]  }
.LBB2_8:
0x138: {  	_ =	sdelay $0x3  }
0x139: {  	v2 =	vshll.u32 v1, $0x3  }
0x13a: {  	v1 =	vand.u32 $0x7F, v1;
	v2 =	vand.u32 $0xFFFFFC00, v2  }
0x13b: {  	v1 =	vor.u32 v2, v1  }
0x13c: {  	v1 =	vor.u32 $0x80, v1;
	_ =	sdelay $0x1  }
0x13d: {  	s4 =	sadd.s32 @p2 $0x10, s14  }
0x13e: {  	s7 =	smov.u32 @p2 s4  }
0x13f: {  	v2 =	vld [tilespmem:s7+$0x0]  }
0x140: {  	v1 =	vld.idx.msk [tilespmem:v1+s12+$0x0], $0xffff;
	_ =	sdelay $0x2  }
0x141: {  	s4 =	sadd.s32 @p2 $0x80, s16;
	s7 =	simm.s32 $0x0  }
.Ltmp4:
0x142: {  	s7 =	smov.u32 @p2 s4;
	(pc) =	sbr.rel @!p1 .LBB2_9-.Ltmp4, $4  }
0x143: {  	s30 =	sand.u32 $0x70, s18;
	s7 =	sand.u32 $0x3C00, s7;
	v1 =	vmul.f32 v2, v1  }
0x144: {  	s4 =	sor.u32 s30, s7  }
0x145: {  	[tilespmem:s4+$0x5080] =	vst v1  }
0x146: {  	s7 =	simm.s32 $0x800;
	v1 =	vld [tilespmem:s5+$0x0]  }
0x147: {  	_ =	sdelay $0x3  }
0x148: {  	v2 =	vshll.u32 v1, $0x3  }
0x149: {  	v1 =	vand.u32 $0x7F, v1;
	v2 =	vand.u32 $0xFFFFFC00, v2  }
0x14a: {  	v1 =	vor.u32 v2, v1  }
0x14b: {  	v1 =	vor.u32 $0x100, v1;
	_ =	sdelay $0x3  }
0x14c: {  	v2 =	vld [tilespmem:s7+$0x0]  }
0x14d: {  	v1 =	vld.idx.msk [tilespmem:v1+s12+$0x0], $0xffff;
	_ =	sdelay $0x2  }
0x14e: {  	p1 =	por $0x1, $0x1  }
.Ltmp5:
0x14f: {  	_ = 	snop;
	(pc) =	sbr.rel @!p1 .LBB2_11-.Ltmp5, $4  }
0x150: {  	s4 =	sand.u32 $0x70, s5;
	s14 =	sand.u32 $0x3C00, s5;
	v1 =	vmul.f32 v2, v1  }
0x151: {  	s4 =	sor.u32 s4, s14  }
0x152: {  	s18 =	simm.s32 $0x20;
	p0 =	por $0x1, $0x1;
	[tilespmem:s4+$0x5100] =	vst v1  }
0x153: {  	s16 =	simm.s32 $0x800;
	s20 =	simm.s32 $0x10;
	s14 =	simm.s32 $0x0;
	v1 =	vld [tilespmem:s9+$0x0]  }
.LBB2_12:
0x154: {  	p1 =	sne.s32 s18, $0x7F0;
	_ =	sdelay $0x3  }
0x155: {  	v2 =	vshll.u32 v1, $0x3  }
0x156: {  	v1 =	vand.u32 $0x7F, v1;
	v2 =	vand.u32 $0xFFFFFC00, v2  }
0x157: {  	v1 =	vor.u32 v2, v1  }
0x158: {  	v1 =	vor.u32 $0x100, v1;
	_ =	sdelay $0x4  }
0x159: {  	s16 =	sadd.s32 $0x10, s16;
	v1 =	vld.idx.msk [tilespmem:v1+s12+$0x0], $0xffff  }
0x15a: {  	v2 =	vld [tilespmem:s16+$0x0];
	_ =	sdelay $0x3  }
.Ltmp6:
0x15b: {  	s14 =	sadd.s32 $0x80, s14;
	(pc) =	sbr.rel @p1 .LBB2_12-.Ltmp6, $4  }
0x15c: {  	s4 =	sand.u32 $0x70, s9;
	s9 =	smov.u32 s18;
	s22 =	sand.u32 $0x3C00, s14;
	v1 =	vmul.f32 v2, v1  }
0x15d: {  	s4 =	sor.u32 s4, s22  }
0x15e: {  	s20 =	sadd.s32 $0x10, s20;
	[tilespmem:s4+$0x5100] =	vst v1  }
0x15f: {  	s18 =	sadd.s32 $0x10, s18;
	v1 =	vld [tilespmem:s20+$0x0]  }
.LBB2_13:
0x160: {  	_ =	sdelay $0x3  }
0x161: {  	v2 =	vshll.u32 v1, $0x3  }
0x162: {  	v1 =	vand.u32 $0x7F, v1;
	v2 =	vand.u32 $0xFFFFFC00, v2  }
0x163: {  	v1 =	vor.u32 v2, v1  }
0x164: {  	v1 =	vor.u32 $0x100, v1;
	_ =	sdelay $0x1  }
0x165: {  	s4 =	sadd.s32 @p0 $0x10, s16;
	s16 =	simm.s32 $0x800  }
0x166: {  	s16 =	smov.u32 @p0 s4  }
0x167: {  	v2 =	vld [tilespmem:s16+$0x0]  }
0x168: {  	v1 =	vld.idx.msk [tilespmem:v1+s12+$0x0], $0xffff;
	_ =	sdelay $0x2  }
0x169: {  	p1 =	por $0x1, $0x1;
	s4 =	sadd.s32 @p0 $0x80, s14  }
.Ltmp7:
0x16a: {  	s5 =	smov.u32 @p0 s4;
	(pc) =	sbr.rel @!p1 .LBB2_14-.Ltmp7, $4  }
0x16b: {  	s30 =	sand.u32 $0x70, s9;
	s5 =	sand.u32 $0x3C00, s5;
	v1 =	vmul.f32 v2, v1  }
0x16c: {  	s4 =	sor.u32 s30, s5  }
0x16d: {  	s5 =	simm.s32 $0x0;
	[tilespmem:s4+$0x5100] =	vst v1  }
0x16e: {  	s9 =	simm.s32 $0x10;
	p0 =	por $0x0, $0x0;
	v1 =	vld [tilespmem:s5+$0x0]  }
0x16f: {  	_ =	sdelay $0x3  }
0x170: {  	v2 =	vshll.u32 v1, $0x3  }
0x171: {  	v1 =	vand.u32 $0x7F, v1;
	v2 =	vand.u32 $0xFFFFFC00, v2  }
0x172: {  	v1 =	vor.u32 v2, v1  }
0x173: {  	v1 =	vor.u32 $0x180, v1;
	_ =	sdelay $0x3  }
0x174: {  	v2 =	vld [tilespmem:s7+$0x0]  }
0x175: {  	v1 =	vld.idx.msk [tilespmem:v1+s12+$0x0], $0xffff;
	_ =	sdelay $0x2  }
0x176: {  	p3 =	por $0x1, $0x1  }
.Ltmp8:
0x177: {  	_ = 	snop;
	(pc) =	sbr.rel @!p3 .LBB2_16-.Ltmp8, $4  }
0x178: {  	s4 =	sand.u32 $0x70, s5;
	s14 =	sand.u32 $0x3C00, s5;
	v1 =	vmul.f32 v2, v1  }
0x179: {  	s4 =	sor.u32 s4, s14  }
0x17a: {  	s20 =	simm.s32 $0x20;
	p2 =	por $0x1, $0x1;
	s16 =	simm.s32 $0x0;
	[tilespmem:s4+$0x5180] =	vst v1  }
0x17b: {  	s18 =	simm.s32 $0x10;
	s22 =	simm.s32 $0x10;
	s14 =	simm.s32 $0x800;
	v1 =	vld [tilespmem:s9+$0x0]  }
.LBB2_17:
0x17c: {  	p3 =	sne.s32 s20, $0x7F0;
	_ =	sdelay $0x3  }
0x17d: {  	v2 =	vshll.u32 v1, $0x3  }
0x17e: {  	v1 =	vand.u32 $0x7F, v1;
	v2 =	vand.u32 $0xFFFFFC00, v2  }
0x17f: {  	v1 =	vor.u32 v2, v1  }
0x180: {  	v1 =	vor.u32 $0x180, v1;
	_ =	sdelay $0x4  }
0x181: {  	s14 =	sadd.s32 $0x10, s14;
	v1 =	vld.idx.msk [tilespmem:v1+s12+$0x0], $0xffff  }
0x182: {  	v2 =	vld [tilespmem:s14+$0x0];
	_ =	sdelay $0x3  }
.Ltmp9:
0x183: {  	s16 =	sadd.s32 $0x80, s16;
	(pc) =	sbr.rel @p3 .LBB2_17-.Ltmp9, $4  }
0x184: {  	s4 =	sand.u32 $0x70, s18;
	s18 =	smov.u32 s20;
	s25 =	sand.u32 $0x3C00, s16;
	v1 =	vmul.f32 v2, v1  }
0x185: {  	s4 =	sor.u32 s4, s25  }
0x186: {  	s22 =	sadd.s32 $0x10, s22;
	[tilespmem:s4+$0x5180] =	vst v1  }
0x187: {  	s20 =	sadd.s32 $0x10, s20;
	v1 =	vld [tilespmem:s22+$0x0]  }
.LBB2_18:
0x188: {  	_ =	sdelay $0x3  }
0x189: {  	v2 =	vshll.u32 v1, $0x3  }
0x18a: {  	v1 =	vand.u32 $0x7F, v1;
	v2 =	vand.u32 $0xFFFFFC00, v2  }
0x18b: {  	v1 =	vor.u32 v2, v1  }
0x18c: {  	v1 =	vor.u32 $0x180, v1;
	_ =	sdelay $0x1  }
0x18d: {  	s4 =	sadd.s32 @p2 $0x10, s14  }
0x18e: {  	s7 =	smov.u32 @p2 s4  }
0x18f: {  	v2 =	vld [tilespmem:s7+$0x0]  }
0x190: {  	v1 =	vld.idx.msk [tilespmem:v1+s12+$0x0], $0xffff;
	_ =	sdelay $0x2  }
0x191: {  	s4 =	sadd.s32 @p2 $0x80, s16;
	s7 =	simm.s32 $0x0  }
.Ltmp10:
0x192: {  	s7 =	smov.u32 @p2 s4;
	(pc) =	sbr.rel @!p1 .LBB2_19-.Ltmp10, $4  }
0x193: {  	s30 =	sand.u32 $0x70, s18;
	s7 =	sand.u32 $0x3C00, s7;
	v1 =	vmul.f32 v2, v1  }
0x194: {  	s4 =	sor.u32 s30, s7  }
0x195: {  	[tilespmem:s4+$0x5180] =	vst v1  }
0x196: {  	s7 =	simm.s32 $0x800;
	v1 =	vld [tilespmem:s5+$0x0]  }
0x197: {  	_ =	sdelay $0x3  }
0x198: {  	v2 =	vshll.u32 v1, $0x3  }
0x199: {  	v1 =	vand.u32 $0x7F, v1;
	v2 =	vand.u32 $0xFFFFFC00, v2  }
0x19a: {  	v1 =	vor.u32 v2, v1  }
0x19b: {  	v1 =	vor.u32 $0x200, v1;
	_ =	sdelay $0x3  }
0x19c: {  	v2 =	vld [tilespmem:s7+$0x0]  }
0x19d: {  	v1 =	vld.idx.msk [tilespmem:v1+s12+$0x0], $0xffff;
	_ =	sdelay $0x2  }
0x19e: {  	p1 =	por $0x1, $0x1  }
.Ltmp11:
0x19f: {  	_ = 	snop;
	(pc) =	sbr.rel @!p1 .LBB2_21-.Ltmp11, $4  }
0x1a0: {  	s4 =	sand.u32 $0x70, s5;
	s14 =	sand.u32 $0x3C00, s5;
	v1 =	vmul.f32 v2, v1  }
0x1a1: {  	s4 =	sor.u32 s4, s14  }
0x1a2: {  	s18 =	simm.s32 $0x20;
	p0 =	por $0x1, $0x1;
	[tilespmem:s4+$0x5200] =	vst v1  }
0x1a3: {  	s16 =	simm.s32 $0x800;
	s20 =	simm.s32 $0x10;
	s14 =	simm.s32 $0x0;
	v1 =	vld [tilespmem:s9+$0x0]  }
.LBB2_22:
0x1a4: {  	p1 =	sne.s32 s18, $0x7F0;
	_ =	sdelay $0x3  }
0x1a5: {  	v2 =	vshll.u32 v1, $0x3  }
0x1a6: {  	v1 =	vand.u32 $0x7F, v1;
	v2 =	vand.u32 $0xFFFFFC00, v2  }
0x1a7: {  	v1 =	vor.u32 v2, v1  }
0x1a8: {  	v1 =	vor.u32 $0x200, v1;
	_ =	sdelay $0x4  }
0x1a9: {  	s16 =	sadd.s32 $0x10, s16;
	v1 =	vld.idx.msk [tilespmem:v1+s12+$0x0], $0xffff  }
0x1aa: {  	v2 =	vld [tilespmem:s16+$0x0];
	_ =	sdelay $0x3  }
.Ltmp12:
0x1ab: {  	s14 =	sadd.s32 $0x80, s14;
	(pc) =	sbr.rel @p1 .LBB2_22-.Ltmp12, $4  }
0x1ac: {  	s4 =	sand.u32 $0x70, s9;
	s9 =	smov.u32 s18;
	s22 =	sand.u32 $0x3C00, s14;
	v1 =	vmul.f32 v2, v1  }
0x1ad: {  	s4 =	sor.u32 s4, s22  }
0x1ae: {  	s20 =	sadd.s32 $0x10, s20;
	[tilespmem:s4+$0x5200] =	vst v1  }
0x1af: {  	s18 =	sadd.s32 $0x10, s18;
	v1 =	vld [tilespmem:s20+$0x0]  }
.LBB2_23:
0x1b0: {  	_ =	sdelay $0x3  }
0x1b1: {  	v2 =	vshll.u32 v1, $0x3  }
0x1b2: {  	v1 =	vand.u32 $0x7F, v1;
	v2 =	vand.u32 $0xFFFFFC00, v2  }
0x1b3: {  	v1 =	vor.u32 v2, v1  }
0x1b4: {  	v1 =	vor.u32 $0x200, v1;
	_ =	sdelay $0x1  }
0x1b5: {  	s4 =	sadd.s32 @p0 $0x10, s16;
	s16 =	simm.s32 $0x800  }
0x1b6: {  	s16 =	smov.u32 @p0 s4  }
0x1b7: {  	v2 =	vld [tilespmem:s16+$0x0]  }
0x1b8: {  	v1 =	vld.idx.msk [tilespmem:v1+s12+$0x0], $0xffff;
	_ =	sdelay $0x2  }
0x1b9: {  	p1 =	por $0x1, $0x1;
	s4 =	sadd.s32 @p0 $0x80, s14  }
.Ltmp13:
0x1ba: {  	s5 =	smov.u32 @p0 s4;
	(pc) =	sbr.rel @!p1 .LBB2_24-.Ltmp13, $4  }
0x1bb: {  	s30 =	sand.u32 $0x70, s9;
	s5 =	sand.u32 $0x3C00, s5;
	v1 =	vmul.f32 v2, v1  }
0x1bc: {  	s4 =	sor.u32 s30, s5  }
0x1bd: {  	s5 =	simm.s32 $0x0;
	[tilespmem:s4+$0x5200] =	vst v1  }
0x1be: {  	s9 =	simm.s32 $0x10;
	p0 =	por $0x0, $0x0;
	v1 =	vld [tilespmem:s5+$0x0]  }
0x1bf: {  	_ =	sdelay $0x3  }
0x1c0: {  	v2 =	vshll.u32 v1, $0x3  }
0x1c1: {  	v1 =	vand.u32 $0x7F, v1;
	v2 =	vand.u32 $0xFFFFFC00, v2  }
0x1c2: {  	v1 =	vor.u32 v2, v1  }
0x1c3: {  	v1 =	vor.u32 $0x280, v1;
	_ =	sdelay $0x3  }
0x1c4: {  	v2 =	vld [tilespmem:s7+$0x0]  }
0x1c5: {  	v1 =	vld.idx.msk [tilespmem:v1+s12+$0x0], $0xffff;
	_ =	sdelay $0x2  }
0x1c6: {  	p1 =	por $0x1, $0x1  }
.Ltmp14:
0x1c7: {  	_ = 	snop;
	(pc) =	sbr.rel @!p1 .LBB2_26-.Ltmp14, $4  }
0x1c8: {  	s4 =	sand.u32 $0x70, s5;
	s14 =	sand.u32 $0x3C00, s5;
	v1 =	vmul.f32 v2, v1  }
0x1c9: {  	s4 =	sor.u32 s4, s14  }
0x1ca: {  	s18 =	simm.s32 $0x20;
	p0 =	por $0x1, $0x1;
	[tilespmem:s4+$0x5280] =	vst v1  }
0x1cb: {  	s16 =	simm.s32 $0x800;
	s20 =	simm.s32 $0x10;
	s14 =	simm.s32 $0x0;
	v1 =	vld [tilespmem:s9+$0x0]  }
.LBB2_27:
0x1cc: {  	p1 =	sne.s32 s18, $0x7F0;
	_ =	sdelay $0x3  }
0x1cd: {  	v2 =	vshll.u32 v1, $0x3  }
0x1ce: {  	v1 =	vand.u32 $0x7F, v1;
	v2 =	vand.u32 $0xFFFFFC00, v2  }
0x1cf: {  	v1 =	vor.u32 v2, v1  }
0x1d0: {  	v1 =	vor.u32 $0x280, v1;
	_ =	sdelay $0x4  }
0x1d1: {  	s16 =	sadd.s32 $0x10, s16;
	v1 =	vld.idx.msk [tilespmem:v1+s12+$0x0], $0xffff  }
0x1d2: {  	v2 =	vld [tilespmem:s16+$0x0];
	_ =	sdelay $0x3  }
.Ltmp15:
0x1d3: {  	s14 =	sadd.s32 $0x80, s14;
	(pc) =	sbr.rel @p1 .LBB2_27-.Ltmp15, $4  }
0x1d4: {  	s4 =	sand.u32 $0x70, s9;
	s9 =	smov.u32 s18;
	s22 =	sand.u32 $0x3C00, s14;
	v1 =	vmul.f32 v2, v1  }
0x1d5: {  	s4 =	sor.u32 s4, s22  }
0x1d6: {  	s20 =	sadd.s32 $0x10, s20;
	[tilespmem:s4+$0x5280] =	vst v1  }
0x1d7: {  	s18 =	sadd.s32 $0x10, s18;
	v1 =	vld [tilespmem:s20+$0x0]  }
.LBB2_28:
0x1d8: {  	_ =	sdelay $0x3  }
0x1d9: {  	v2 =	vshll.u32 v1, $0x3  }
0x1da: {  	v1 =	vand.u32 $0x7F, v1;
	v2 =	vand.u32 $0xFFFFFC00, v2  }
0x1db: {  	v1 =	vor.u32 v2, v1  }
0x1dc: {  	v1 =	vor.u32 $0x280, v1;
	_ =	sdelay $0x1  }
0x1dd: {  	s4 =	sadd.s32 @p0 $0x10, s16  }
0x1de: {  	s7 =	smov.u32 @p0 s4  }
0x1df: {  	v2 =	vld [tilespmem:s7+$0x0]  }
0x1e0: {  	v1 =	vld.idx.msk [tilespmem:v1+s12+$0x0], $0xffff;
	_ =	sdelay $0x2  }
0x1e1: {  	s4 =	sadd.s32 @p0 $0x80, s14;
	s7 =	simm.s32 $0x0  }
0x1e2: {  	s7 =	smov.u32 @p0 s4  }
0x1e3: {  	s30 =	sand.u32 $0x70, s9;
	s7 =	sand.u32 $0x3C00, s7;
	v1 =	vmul.f32 v2, v1  }
0x1e4: {  	s9 =	simm.s32 $0x800;
	s16 =	simm.s32 $0x0;
	s4 =	sor.u32 s30, s7  }
0x1e5: {  	s22 =	simm.s32 $0x0;
	s14 =	simm.s32 $0x0;
	s7 =	simm.s32 $0x800;
	[tilespmem:s4+$0x5280] =	vst v1  }
.LBB2_29:
0x1e6: {  	v1 =	vld [tilespmem:s5+$0x0];
	_ =	sdelay $0x4  }
0x1e7: {  	v2 =	vshll.u32 v1, $0x3  }
0x1e8: {  	v1 =	vand.u32 $0x7F, v1;
	v2 =	vand.u32 $0xFFFFFC00, v2  }
0x1e9: {  	v1 =	vor.u32 v2, v1  }
0x1ea: {  	v1 =	vor.u32 $0x300, v1;
	_ =	sdelay $0x3  }
0x1eb: {  	v2 =	vld [tilespmem:s9+$0x0]  }
0x1ec: {  	v1 =	vld.idx.msk [tilespmem:v1+s12+$0x0], $0xffff;
	_ =	sdelay $0x1  }
0x1ed: {  	p0 =	sne.s32 s16, $0x7F0  }
.Ltmp16:
0x1ee: {  	_ = 	snop;
	(pc) =	sbr.rel @p0 .LBB2_29-.Ltmp16, $4  }
0x1ef: {  	_ = 	snop  }
0x1f0: {  	s4 =	sand.u32 $0x70, s16;
	s18 =	sand.u32 $0x3C00, s14;
	v1 =	vmul.f32 v2, v1  }
0x1f1: {  	s14 =	sadd.s32 $0x80, s14;
	s4 =	sor.u32 s4, s18  }
0x1f2: {  	s5 =	sadd.s32 $0x10, s5;
	s16 =	sadd.s32 $0x10, s16;
	s9 =	sadd.s32 $0x10, s9;
	[tilespmem:s4+$0x5300] =	vst v1  }
0x1f3: {  	s5 =	simm.s32 $0x0  }
0x1f4: {  	v1 =	vld [tilespmem:s5+$0x0];
	_ =	sdelay $0x4  }
0x1f5: {  	v2 =	vshll.u32 v1, $0x3  }
0x1f6: {  	v1 =	vand.u32 $0x7F, v1;
	v2 =	vand.u32 $0xFFFFFC00, v2  }
0x1f7: {  	v1 =	vor.u32 v2, v1  }
0x1f8: {  	v1 =	vor.u32 $0x380, v1;
	_ =	sdelay $0x3  }
0x1f9: {  	v2 =	vld [tilespmem:s7+$0x0]  }
0x1fa: {  	v1 =	vld.idx.msk [tilespmem:v1+s12+$0x0], $0xffff;
	_ =	sdelay $0x2  }
0x1fb: {  	s4 =	sand.u32 $0x7, s5  }
0x1fc: {  	s4 =	sshll.u32 s4, $0x4  }
0x1fd: {  	s4 =	sadd.s32 $0x0, s4;
	v1 =	vmul.f32 v2, v1  }
0x1fe: {  	s4 =	sor.u32 $0x380, s4  }
0x1ff: {  	s14 =	simm.s32 $0x10;
	[tilespmem:s4+$0x5000] =	vst v1  }
0x200: {  	s16 =	simm.s32 $0x20;
	s9 =	simm.s32 $0x0;
	v1 =	vld [tilespmem:s14+$0x0]  }
.LBB2_31:
0x201: {  	p0 =	sne.s32 s16, $0x7F0;
	_ =	sdelay $0x3  }
0x202: {  	v2 =	vshll.u32 v1, $0x3  }
0x203: {  	v1 =	vand.u32 $0x7F, v1;
	v2 =	vand.u32 $0xFFFFFC00, v2  }
0x204: {  	v1 =	vor.u32 v2, v1  }
0x205: {  	v1 =	vor.u32 $0x380, v1;
	_ =	sdelay $0x4  }
0x206: {  	s7 =	sadd.s32 $0x10, s7;
	v1 =	vld.idx.msk [tilespmem:v1+s12+$0x0], $0xffff  }
0x207: {  	v2 =	vld [tilespmem:s7+$0x0];
	_ =	sdelay $0x1  }
0x208: {  	s5 =	sadd.s32 $0x1, s5  }
0x209: {  	s4 =	sand.u32 $0x7, s5  }
.Ltmp17:
0x20a: {  	s9 =	sadd.s32 $0x80, s9;
	s4 =	sshll.u32 s4, $0x4;
	(pc) =	sbr.rel @p0 .LBB2_31-.Ltmp17, $4  }
0x20b: {  	s4 =	sadd.s32 s4, s9;
	v1 =	vmul.f32 v2, v1  }
0x20c: {  	s4 =	sor.u32 $0x380, s4  }
0x20d: {  	s14 =	sadd.s32 $0x10, s14;
	[tilespmem:s4+$0x5000] =	vst v1  }
0x20e: {  	s16 =	sadd.s32 $0x10, s16;
	v1 =	vld [tilespmem:s14+$0x0]  }
0x20f: {  	_ = 	snop  }
0x210: {  	(v2sf) =	vpush v0, $0x0;
	_ =	sdelay $0x2  }
0x211: {  	v61 =	vshll.u32 v1, $0x3  }
0x212: {  	v62 =	vand.u32 $0x7F, v1;
	v0 =	vand.u32 $0xFFFFFC00, v61  }
0x213: {  	v0 =	vor.u32 v0, v62  }
0x214: {  	v0 =	vor.u32 $0x380, v0;
	_ =	sdelay $0x2  }
0x215: {  	s4 =	sadd.s32 $0x10, s7  }
0x216: {  	v63 =	vld [tilespmem:s4+$0x0]  }
0x217: {  	v0 =	vld.idx.msk [tilespmem:v0+s12+$0x0], $0xffff;
	_ =	sdelay $0x1  }
0x218: {  	s20 =	sadd.s32 $0x1, s5  }
0x219: {  	s4 =	sand.u32 $0x7, s20  }
0x21a: {  	s24 =	sadd.s32 $0x80, s9;
	s4 =	sshll.u32 s4, $0x4;
	s25 =	spop (v2sf)  }
0x21b: {  	s4 =	sadd.s32 s4, s24;
	s26 =	sshll.u32 s25, $0x8;
	v0 =	vmul.f32 v63, v0  }
0x21c: {  	s4 =	sor.u32 $0x380, s4;
	s5 =	sand.u32 $0xFFFF800, s26  }
0x21d: {  	s3 =	simm.s32 $0x5000;
	s9 =	simm.s32 $0xC;
	s28 =	sadd.s32 s2, s5;
	[tilespmem:s4+$0x5000] =	vst v0  }
0x21e: {  	[hbm4b:s28+s22] =	stream.linear.scatter [tilespmem:s3], [sflag:$0xC], $0x4000, $0x38;
	[tilespmem:$0x1D800] =	vst v63  }
0x21f: {  	_ =	swait.ge [sflag:s9], $0x4000  }
0x220: {  	[sflag:s9] =	ssyncset.done $0x0  }
0x221: {  	[sflag:s9] =	ssyncadd.s32 $0xFFFFC000  }
0x222: {  	_ =	swait.ge [sflag:s29], $0x800  }
0x223: {  	[sflag:s29] =	ssyncset.done $0x0  }
0x224: {  	[sflag:s29] =	ssyncadd.s32 $0xFFFFF800  }
0x225: {  	_ =	swait.ge [sflag:s10], $0x800  }
0x226: {  	[sflag:s10] =	ssyncset.done $0x0  }
0x227: {  	[sflag:s10] =	ssyncadd.s32 $0xFFFFF800  }
0x228: {  	_ =	swait.ge [sflag:s0], $0x800  }
0x229: {  	[sflag:s0] =	ssyncset.done $0x0  }
0x22a: {  	[sflag:s0] =	ssyncadd.s32 $0xFFFFF800  }
0x22b: {  	_ =	swait.ge [sflag:s11], $0x800  }
0x22c: {  	s6 =	sadd.s32 $0x1, s6;
	s30 =	rddreg [dreg:$0x7]  }
0x22d: {  	p0 =	sne.s32 s6, s30  }
.Ltmp18:
0x22e: {  	_ = 	snop;
	(pc) =	sbr.rel @p0 .LBB2_1-.Ltmp18, $4  }
.Ltmp19:
0x22f: {  	_ = 	snop;
	(pc) =	sbr.rel @!p0 .LBB2_33-.Ltmp19, $4  }
0x230: {  	_ = 	snop  }
0x231: {  	[sflag:s11] =	ssyncset.done $0x0  }
0x232: {  	[sflag:s11] =	ssyncadd.s32 $0xFFFFF800  }
0x233: {  	_ = 	snop  }
.LBB2_4:
.Ltmp20:
0x234: {  	(pc) =	sbr.rel .LBB2_8-.Ltmp20, $3  }
0x235: {  	_ =	sdelay $0x1  }
0x236: {  	s14 =	simm.s32 $0x800  }
0x237: {  	s16 =	simm.s32 $0x0;
	s18 =	simm.s32 $0x0;
	p2 =	por $0x0, $0x0  }
.LBB2_9:
.Ltmp21:
0x238: {  	(pc) =	sbr.rel .LBB2_13-.Ltmp21, $2  }
0x239: {  	_ =	sdelay $0x2  }
0x23a: {  	s16 =	simm.s32 $0x800;
	s14 =	simm.s32 $0x0;
	s9 =	simm.s32 $0x0  }
.LBB2_14:
.Ltmp22:
0x23b: {  	(pc) =	sbr.rel .LBB2_18-.Ltmp22, $3  }
0x23c: {  	_ =	sdelay $0x1  }
0x23d: {  	s14 =	simm.s32 $0x800  }
0x23e: {  	s16 =	simm.s32 $0x0;
	s18 =	simm.s32 $0x0;
	p2 =	por $0x0, $0x0  }
.LBB2_19:
.Ltmp23:
0x23f: {  	(pc) =	sbr.rel .LBB2_23-.Ltmp23, $2  }
0x240: {  	_ =	sdelay $0x2  }
0x241: {  	s16 =	simm.s32 $0x800;
	s14 =	simm.s32 $0x0;
	s9 =	simm.s32 $0x0  }
.LBB2_24:
.Ltmp24:
0x242: {  	(pc) =	sbr.rel .LBB2_28-.Ltmp24, $2  }
0x243: {  	_ =	sdelay $0x2  }
0x244: {  	s16 =	simm.s32 $0x800;
	s14 =	simm.s32 $0x0;
	s9 =	simm.s32 $0x0  }
.LBB2_6:
.Ltmp25:
0x245: {  	(pc) =	sbr.rel .LBB2_8-.Ltmp25, $2  }
0x246: {  	_ =	sdelay $0x2  }
0x247: {  	s14 =	simm.s32 $0x800;
	s16 =	simm.s32 $0x0;
	s18 =	simm.s32 $0x10  }
.LBB2_11:
.Ltmp26:
0x248: {  	(pc) =	sbr.rel .LBB2_13-.Ltmp26, $2  }
0x249: {  	_ =	sdelay $0x2  }
0x24a: {  	s16 =	simm.s32 $0x800;
	s14 =	simm.s32 $0x0  }
.LBB2_16:
.Ltmp27:
0x24b: {  	(pc) =	sbr.rel .LBB2_18-.Ltmp27, $2  }
0x24c: {  	_ =	sdelay $0x2  }
0x24d: {  	s14 =	simm.s32 $0x800;
	s16 =	simm.s32 $0x0;
	s18 =	simm.s32 $0x10  }
.LBB2_21:
.Ltmp28:
0x24e: {  	(pc) =	sbr.rel .LBB2_23-.Ltmp28, $2  }
0x24f: {  	_ =	sdelay $0x2  }
0x250: {  	s16 =	simm.s32 $0x800;
	s14 =	simm.s32 $0x0  }
.LBB2_26:
.Ltmp29:
0x251: {  	(pc) =	sbr.rel .LBB2_28-.Ltmp29, $2  }
0x252: {  	_ =	sdelay $0x2  }
0x253: {  	s16 =	simm.s32 $0x800;
	s14 =	simm.s32 $0x0  }
.LBB2_33:
0x254: {  	_ =	sfence.sel $0x180000  }
0x255: {  	[bflag:$0x0] =	sbarrier.arrive $0xFFFF  }
0x256: {  	_ =	strace $0x90000047  }
0x257: {  	s0 =	stileid.u32;
	[bflag:$0x2] =	sbarrier.arrive $0xFFFF  }
0x258: {  	p0 =	sne.s32 s0, $0x0;
	s0 =	rddreg [dreg:$0x4]  }
0x259: {  	s0 =	sadd.s32 @!p0 $0x100000, s0  }
0x25a: {  	[sflag:s0] =	ssyncadd.tile.s32 @!p0 $0x1;
	_ =	shalt  }
.Lfunc_end2:
_tile_overlayer_lowered:
.L_overlay_start_2:
0x25b: {  	(tag) =	ssettag $0x2  }
0x25c: {  	s0 =	rddreg [dreg:$0x0];
	s2 =	stileid.u32  }
0x25d: {  	s1 =	rddreg [dreg:$0x1];
	p0 =	sne.s32 s2, $0x0  }
0x25e: {  	s3 =	rddreg [dreg:$0x2];
	[bflag:$0x3] =	sbarrier.arrive $0xFFFF;
	s2 =	simm.s32 @!p0 $0x1C0C  }
0x25f: {  	[timem:s3], [sflag:s2] =	dma.local @!p0 [hbm:s0], s1  }
0x260: {  	s0 =	simm.s32 @!p0 $0xC  }
0x261: {  	_ =	swait.ge @!p0 [sflag:s0], s1  }
0x262: {  	s1 =	ssub.s32 @!p0 $0x0, s1;
	[sflag:s0] =	ssyncset.done @!p0 $0x0  }
0x263: {  	[sflag:s0] =	ssyncadd.s32 @!p0 s1  }
0x264: {  	[bflag:$0x3] =	sbarrier.arrive $0xFFFF  }
0x265: {  	_ =	shalt  }

</sc_bundles>
